<compile_context>
chip_gen: v7x
topology: tpu7x:2x2x1
jax: 0.10.2.dev20260603
libtpu: 0.0.44.dev20260713+nightly
codegen_flags: <defaults>
</compile_context>

<pallas_src>
import functools

import jax
import jax.numpy as jnp
from jax import lax
from jax.experimental import pallas as pl
from jax.experimental.pallas import tpu as pltpu
from jax.experimental.pallas import tpu_sc as plsc

C = 19
B = 4
HW = 512 * 512
N_PIX = B * HW

NB_SUB = 9
EXP_LO = 113
N_EXP = 20
NB = N_EXP << NB_SUB
OFFSET = EXP_LO << NB_SUB
NH = 2 * NB

N_TILES = 32
TILES_PER_BATCH = N_TILES // B
PIX = HW // TILES_PER_BATCH
LANES = 16
UNROLL = 4


def _hist_body(x_hbm, t_hbm, out_hbm, xbuf, tbuf, hist):
    wid = lax.axis_index("s") * 2 + lax.axis_index("c")
    bi = wid // TILES_PER_BATCH
    hw0 = (wid % TILES_PER_BATCH) * PIX

    pltpu.sync_copy(t_hbm.at[bi, pl.ds(hw0, PIX)], tbuf)

    zeros16 = jnp.zeros((LANES,), jnp.float32)
    ones16 = jnp.ones((LANES,), jnp.float32)

    def class_step(c, carry):
        pltpu.sync_copy(x_hbm.at[bi, c, pl.ds(hw0, PIX)], xbuf)

        def zero_step(j, carry2):
            base = j * (LANES * 8)
            for k in range(8):
                hist[pl.ds(base + k * LANES, LANES)] = zeros16
            return carry2

        lax.fori_loop(0, NH // (LANES * 8), zero_step, 0)

        def pix_step(i, carry2):
            base = i * (LANES * UNROLL)
            for k in range(UNROLL):
                off = base + k * LANES
                x = xbuf[pl.ds(off, LANES)]
                t = tbuf[pl.ds(off, LANES)]
                m = t == c
                fg = jnp.where(m, 1.0, 0.0).astype(jnp.float32)
                err = jnp.abs(x - fg)
                bits = lax.bitcast_convert_type(err, jnp.int32)
                bn = lax.shift_right_logical(bits, 14) - OFFSET
                bn = jnp.minimum(jnp.maximum(bn, 0), NB - 1)
                idx = bn + jnp.where(m, NB, 0)
                plsc.addupdate_scatter(hist, [idx], ones16)
            return carry2

        lax.fori_loop(0, PIX // (LANES * UNROLL), pix_step, 0)

        pltpu.sync_copy(hist, out_hbm.at[wid, c])
        return carry

    lax.fori_loop(0, C, class_step, 0)


def _loss_body(hist_ref, out_ref, acc_ref):
    i = pl.program_id(0)

    @pl.when(i == 0)
    def _():
        acc_ref[...] = jnp.zeros_like(acc_ref)

    acc_ref[...] += hist_ref[0]

    @pl.when(i == N_TILES - 1)
    def _():
        H = acc_ref[...]
        bg = H[:, :NB]
        fgc = H[:, NB:]
        cnt = bg + fgc
        G = jnp.sum(fgc, axis=1, keepdims=True)
        total = jnp.sum(cnt, axis=1, keepdims=True)

        def cumsum_lanes(x):
            s = 1
            while s < NB:
                shifted = jnp.concatenate(
                    [jnp.zeros((C, s), jnp.float32), x[:, :-s]], axis=1)
                x = x + shifted
                s *= 2
            return x

        incl = cumsum_lanes(cnt)
        F_incl = cumsum_lanes(fgc)
        n_ge = total - incl + cnt
        F_ge = G - F_incl + fgc
        n_gt = n_ge - cnt
        F_gt = F_ge - fgc

        def jac(n, F):
            den = jnp.maximum(G + n - F, 1.0)
            return 1.0 - (G - F) / den

        bb = lax.broadcasted_iota(jnp.int32, (C, NB), 1)
        rep_bits = ((bb + OFFSET) << 14) + (1 << 13)
        rep = lax.bitcast_convert_type(rep_bits, jnp.float32)

        contrib = rep * (jac(n_ge, F_ge) - jac(n_gt, F_gt))
        losses = jnp.sum(contrib, axis=1, keepdims=True)
        present = (G > 0).astype(jnp.float32)
        num = jnp.sum(losses * present, keepdims=True)
        den = jnp.sum(present, keepdims=True)
        out_ref[...] = num / den


def kernel(input, target):
    x = input.reshape(B, C, HW)
    t = target.reshape(B, HW).astype(jnp.int32)

    mesh = plsc.VectorSubcoreMesh(core_axis_name="c", subcore_axis_name="s")
    hist_kernel = functools.partial(
        pl.kernel,
        mesh=mesh,
        compiler_params=pltpu.CompilerParams(needs_layout_passes=False),
        out_type=jax.ShapeDtypeStruct((N_TILES, C, NH), jnp.float32),
        scratch_types=[
            pltpu.VMEM((PIX,), jnp.float32),
            pltpu.VMEM((PIX,), jnp.int32),
            pltpu.VMEM((NH,), jnp.float32),
        ],
    )(_hist_body)
    partials = hist_kernel(x, t)

    loss = pl.pallas_call(
        _loss_body,
        grid=(N_TILES,),
        in_specs=[pl.BlockSpec((1, C, NH), lambda i: (i, 0, 0))],
        out_specs=pl.BlockSpec((1, 1), lambda i: (0, 0)),
        out_shape=jax.ShapeDtypeStruct((1, 1), jnp.float32),
        scratch_shapes=[pltpu.VMEM((C, NH), jnp.float32)],
    )(partials)
    return loss[0, 0]

# --- scband reference (transcript-rebuilt; emitter-appended) ---
"""Pipeline reference for scband-lovasz-softmax-48988396978274 (READ-ONLY COPY).

The authoritative reference and input builder live on the scoring server;
editing this copy changes nothing except your own understanding.
"""

import jax, jax.numpy as jnp
import numpy as np


def _lovasz_grad(gt_sorted):
    gts = jnp.sum(gt_sorted)
    intersection = gts - jnp.cumsum(gt_sorted)
    union = gts + jnp.cumsum(1.0 - gt_sorted)
    jaccard = 1.0 - intersection / union
    jaccard = jnp.concatenate([jaccard[:1], jaccard[1:] - jaccard[:-1]])
    return jaccard


def setup_inputs(seed: int = 0) -> dict:
    key = jax.random.key(seed)
    k1, k2 = jax.random.split(key)
    inp = jax.random.normal(k1, (4, 19, 512, 512), dtype=jnp.float32)
    target = jax.random.randint(k2, (4, 512, 512), 0, 19, dtype=jnp.int32)
    return {"input": inp, "target": target}


def reference(input, target):
    B, C, H, W = input.shape
    flat = jnp.transpose(input, (0, 2, 3, 1)).reshape(-1, C)
    tgt = target.reshape(-1)
    losses = []
    present = []
    for c in range(C):
        fg = (tgt == c).astype(jnp.float32)
        pred = flat[:, c]
        err = jnp.abs(fg - pred)
        order = jnp.argsort(-err)
        err_sorted = err[order]
        fg_sorted = fg[order]
        grad = _lovasz_grad(fg_sorted)
        losses.append(jnp.dot(err_sorted, jax.lax.stop_gradient(grad)))
        present.append((jnp.sum(fg) > 0).astype(jnp.float32))
    losses = jnp.stack(losses)
    present = jnp.stack(present)
    return jnp.sum(losses * present) / jnp.sum(present)

if __name__ == "__main__":
    import jax
    _d = setup_inputs()
    print(jax.jit(kernel)(*tuple(_d.values())))

</pallas_src>

<mosaic_0001>
#map = affine_map<(d0, d1) -> (0, 0, 0)>
#map1 = affine_map<(d0, d1) -> (0, 0)>
module attributes {stable_mosaic.version = 14 : i64} {
  func.func @_hist_body(%arg0: i32, %arg1: i32, %arg2: memref<4x19x262144xf32, #tpu.memory_space<hbm>>, %arg3: memref<4x262144xi32, #tpu.memory_space<hbm>>, %arg4: memref<32x19x20480xf32, #tpu.memory_space<hbm>>, %arg5: memref<32768xf32, #tpu.memory_space<vmem>>, %arg6: memref<32768xi32, #tpu.memory_space<vmem>>, %arg7: memref<20480xf32, #tpu.memory_space<vmem>>) attributes {dimension_semantics = [#tpu.dimension_semantics<core_parallel>, #tpu.dimension_semantics<subcore_parallel>], iteration_bounds = array<i64: 2, 16>, scalar_prefetch = 0 : i64, scratch_operands = 3 : i64, tpu.core_type = #tpu.core_type<sc_vector_subcore>, window_params = [{transform_indices = #map}, {transform_indices = #map1}, {transform_indices = #map}]} {
    %mul3A = arith.constant 2 : i32
    %mul3A_0 = arith.muli %arg1, %mul3A : i32
    %add3A = arith.addi %mul3A_0, %arg0 : i32
    %jit3A = arith.constant 8 : i32
    %div3A = arith.divsi %add3A, %jit3A : i32
    %sign3A = arith.constant 0 : i32
    %sign3A_1 = arith.cmpi sgt, %add3A, %sign3A : i32
    %sign3A_2 = arith.extui %sign3A_1 : i1 to i32
    %sign3A_3 = arith.constant 0 : i32
    %sign3A_4 = arith.cmpi slt, %add3A, %sign3A_3 : i32
    %sign3A_5 = arith.extui %sign3A_4 : i1 to i32
    %sign3A_6 = arith.subi %sign3A_2, %sign3A_5 : i32
    %sign3A_7 = arith.constant 0 : i32
    %sign3A_8 = arith.cmpi sgt, %jit3A, %sign3A_7 : i32
    %sign3A_9 = arith.extui %sign3A_8 : i1 to i32
    %sign3A_10 = arith.constant 0 : i32
    %sign3A_11 = arith.cmpi slt, %jit3A, %sign3A_10 : i32
    %sign3A_12 = arith.extui %sign3A_11 : i1 to i32
    %sign3A_13 = arith.subi %sign3A_9, %sign3A_12 : i32
    %ne3A = arith.cmpi ne, %sign3A_6, %sign3A_13 : i32
    %rem3A = arith.remsi %add3A, %jit3A : i32
    %ne3A_14 = arith.constant 0 : i32
    %ne3A_15 = arith.cmpi ne, %rem3A, %ne3A_14 : i32
    %and3A = arith.andi %ne3A, %ne3A_15 : i1
    %sub3A = arith.constant 1 : i32
    %sub3A_16 = arith.subi %div3A, %sub3A : i32
    %select_n3A = arith.select %and3A, %sub3A_16, %div3A : i32
    %jit3A_17 = arith.constant 8 : i32
    %eq3A = arith.constant 0 : i32
    %eq3A_18 = arith.cmpi eq, %jit3A_17, %eq3A : i32
    %jit3A_19 = arith.constant 1 : i32
    %select_n3A_20 = arith.select %eq3A_18, %jit3A_19, %jit3A_17 : i32
    %rem3A_21 = arith.remsi %add3A, %select_n3A_20 : i32
    %ne3A_22 = arith.constant 0 : i32
    %ne3A_23 = arith.cmpi ne, %rem3A_21, %ne3A_22 : i32
    %lt3A = arith.constant 0 : i32
    %lt3A_24 = arith.cmpi slt, %rem3A_21, %lt3A : i32
    %lt3A_25 = arith.constant 0 : i32
    %lt3A_26 = arith.cmpi slt, %select_n3A_20, %lt3A_25 : i32
    %ne3A_27 = arith.xori %lt3A_24, %lt3A_26 : i1
    %and3A_28 = arith.andi %ne3A_27, %ne3A_23 : i1
    %add3A_29 = arith.addi %rem3A_21, %select_n3A_20 : i32
    %select_n3A_30 = arith.select %and3A_28, %add3A_29, %rem3A_21 : i32
    %mul3A_31 = arith.constant 32768 : i32
    %mul3A_32 = arith.muli %select_n3A_30, %mul3A_31 : i32
    "tpu.region"() ({
      %run_scoped3A = tpu.sem_alloc : memref<!tpu.dma_semaphore, #tpu.memory_space<semaphore_mem>>
      %dma_start3A = tpu.memref_slice %arg3[%select_n3A, %mul3A_32] : memref<4x262144xi32, #tpu.memory_space<hbm>> -> memref<1x32768xi32, #tpu.memory_space<hbm>>
      %dma_start3A_41 = tpu.memref_squeeze %dma_start3A : memref<1x32768xi32, #tpu.memory_space<hbm>> -> memref<32768xi32, #tpu.memory_space<hbm>>
      %dma_start3A_42 = tpu.memref_slice %arg3[%select_n3A, %mul3A_32] : memref<4x262144xi32, #tpu.memory_space<hbm>> -> memref<1x32768xi32, #tpu.memory_space<hbm>>
      %dma_start3A_43 = tpu.memref_squeeze %dma_start3A_42 : memref<1x32768xi32, #tpu.memory_space<hbm>> -> memref<32768xi32, #tpu.memory_space<hbm>>
      tpu.enqueue_dma source(%dma_start3A_43 : memref<32768xi32, #tpu.memory_space<hbm>>) target(%arg6 : memref<32768xi32, #tpu.memory_space<vmem>>) target_semaphore(%run_scoped3A : memref<!tpu.dma_semaphore, #tpu.memory_space<semaphore_mem>>)
      %dma_wait3A = tpu.memref_slice %arg3[%select_n3A, %mul3A_32] : memref<4x262144xi32, #tpu.memory_space<hbm>> -> memref<1x32768xi32, #tpu.memory_space<hbm>>
      %dma_wait3A_44 = tpu.memref_squeeze %dma_wait3A : memref<1x32768xi32, #tpu.memory_space<hbm>> -> memref<32768xi32, #tpu.memory_space<hbm>>
      %dma_wait3A_45 = tpu.memref_slice %arg3[%select_n3A, %mul3A_32] : memref<4x262144xi32, #tpu.memory_space<hbm>> -> memref<1x32768xi32, #tpu.memory_space<hbm>>
      %dma_wait3A_46 = tpu.memref_squeeze %dma_wait3A_45 : memref<1x32768xi32, #tpu.memory_space<hbm>> -> memref<32768xi32, #tpu.memory_space<hbm>>
      tpu.wait_dma2 semaphore(%run_scoped3A : memref<!tpu.dma_semaphore, #tpu.memory_space<semaphore_mem>>) src(%dma_wait3A_46 : memref<32768xi32, #tpu.memory_space<hbm>>) dst(%arg6 : memref<32768xi32, #tpu.memory_space<vmem>>)
      tpu.yield
    }) : () -> ()
    %broadcast_in_dim3A = arith.constant 0.000000e+00 : f32
    %broadcast_in_dim3A_33 = vector.broadcast %broadcast_in_dim3A : f32 to vector<16xf32>
    %broadcast_in_dim3A_34 = arith.constant 1.000000e+00 : f32
    %broadcast_in_dim3A_35 = vector.broadcast %broadcast_in_dim3A_34 : f32 to vector<16xf32>
    %scan3A = arith.constant 0 : i32
    %scan3A_36 = arith.constant 0 : i32
    %scan3A_37 = arith.constant 19 : i32
    %scan3A_38 = arith.addi %scan3A_36, %scan3A_37 : i32
    %scan3A_39 = arith.constant 1 : i32
    scf.for %scan3A_41 = %scan3A_36 to %scan3A_38 step %scan3A_39  : i32 {
      "tpu.region"() ({
        %run_scoped3A = tpu.sem_alloc : memref<!tpu.dma_semaphore, #tpu.memory_space<semaphore_mem>>
        %dma_start3A = tpu.memref_slice %arg2[%select_n3A, %scan3A_41, %mul3A_32] : memref<4x19x262144xf32, #tpu.memory_space<hbm>> -> memref<1x1x32768xf32, #tpu.memory_space<hbm>>
        %dma_start3A_54 = tpu.memref_squeeze %dma_start3A : memref<1x1x32768xf32, #tpu.memory_space<hbm>> -> memref<32768xf32, #tpu.memory_space<hbm>>
        %dma_start3A_55 = tpu.memref_slice %arg2[%select_n3A, %scan3A_41, %mul3A_32] : memref<4x19x262144xf32, #tpu.memory_space<hbm>> -> memref<1x1x32768xf32, #tpu.memory_space<hbm>>
        %dma_start3A_56 = tpu.memref_squeeze %dma_start3A_55 : memref<1x1x32768xf32, #tpu.memory_space<hbm>> -> memref<32768xf32, #tpu.memory_space<hbm>>
        tpu.enqueue_dma source(%dma_start3A_56 : memref<32768xf32, #tpu.memory_space<hbm>>) target(%arg5 : memref<32768xf32, #tpu.memory_space<vmem>>) target_semaphore(%run_scoped3A : memref<!tpu.dma_semaphore, #tpu.memory_space<semaphore_mem>>)
        %dma_wait3A = tpu.memref_slice %arg2[%select_n3A, %scan3A_41, %mul3A_32] : memref<4x19x262144xf32, #tpu.memory_space<hbm>> -> memref<1x1x32768xf32, #tpu.memory_space<hbm>>
        %dma_wait3A_57 = tpu.memref_squeeze %dma_wait3A : memref<1x1x32768xf32, #tpu.memory_space<hbm>> -> memref<32768xf32, #tpu.memory_space<hbm>>
        %dma_wait3A_58 = tpu.memref_slice %arg2[%select_n3A, %scan3A_41, %mul3A_32] : memref<4x19x262144xf32, #tpu.memory_space<hbm>> -> memref<1x1x32768xf32, #tpu.memory_space<hbm>>
        %dma_wait3A_59 = tpu.memref_squeeze %dma_wait3A_58 : memref<1x1x32768xf32, #tpu.memory_space<hbm>> -> memref<32768xf32, #tpu.memory_space<hbm>>
        tpu.wait_dma2 semaphore(%run_scoped3A : memref<!tpu.dma_semaphore, #tpu.memory_space<semaphore_mem>>) src(%dma_wait3A_59 : memref<32768xf32, #tpu.memory_space<hbm>>) dst(%arg5 : memref<32768xf32, #tpu.memory_space<vmem>>)
        tpu.yield
      }) : () -> ()
      %scan3A_42 = arith.constant 0 : i32
      %scan3A_43 = arith.constant 0 : i32
      %scan3A_44 = arith.constant 160 : i32
      %scan3A_45 = arith.addi %scan3A_43, %scan3A_44 : i32
      %scan3A_46 = arith.constant 1 : i32
      scf.for %scan3A_54 = %scan3A_43 to %scan3A_45 step %scan3A_46  : i32 {
        %mul3A_55 = arith.constant 128 : i32
        %mul3A_56 = arith.muli %scan3A_54, %mul3A_55 : i32
        %add3A_57 = arith.constant 0 : i32
        %add3A_58 = arith.addi %mul3A_56, %add3A_57 : i32
        %swap3A = arith.index_cast %add3A_58 : i32 to index
        %swap3A_59 = tpu.vector_load %arg7[%swap3A] {strides = array<i32>} : memref<20480xf32, #tpu.memory_space<vmem>>, vector<16xf32>,
        tpu.vector_store %arg7[%swap3A], %broadcast_in_dim3A_33 {strides = array<i32>} : memref<20480xf32, #tpu.memory_space<vmem>>, vector<16xf32>,
        %add3A_60 = arith.constant 16 : i32
        %add3A_61 = arith.addi %mul3A_56, %add3A_60 : i32
        %swap3A_62 = arith.index_cast %add3A_61 : i32 to index
        %swap3A_63 = tpu.vector_load %arg7[%swap3A_62] {strides = array<i32>} : memref<20480xf32, #tpu.memory_space<vmem>>, vector<16xf32>,
        tpu.vector_store %arg7[%swap3A_62], %broadcast_in_dim3A_33 {strides = array<i32>} : memref<20480xf32, #tpu.memory_space<vmem>>, vector<16xf32>,
        %add3A_64 = arith.constant 32 : i32
        %add3A_65 = arith.addi %mul3A_56, %add3A_64 : i32
        %swap3A_66 = arith.index_cast %add3A_65 : i32 to index
        %swap3A_67 = tpu.vector_load %arg7[%swap3A_66] {strides = array<i32>} : memref<20480xf32, #tpu.memory_space<vmem>>, vector<16xf32>,
        tpu.vector_store %arg7[%swap3A_66], %broadcast_in_dim3A_33 {strides = array<i32>} : memref<20480xf32, #tpu.memory_space<vmem>>, vector<16xf32>,
        %add3A_68 = arith.constant 48 : i32
        %add3A_69 = arith.addi %mul3A_56, %add3A_68 : i32
        %swap3A_70 = arith.index_cast %add3A_69 : i32 to index
        %swap3A_71 = tpu.vector_load %arg7[%swap3A_70] {strides = array<i32>} : memref<20480xf32, #tpu.memory_space<vmem>>, vector<16xf32>,
        tpu.vector_store %arg7[%swap3A_70], %broadcast_in_dim3A_33 {strides = array<i32>} : memref<20480xf32, #tpu.memory_space<vmem>>, vector<16xf32>,
        %add3A_72 = arith.constant 64 : i32
        %add3A_73 = arith.addi %mul3A_56, %add3A_72 : i32
        %swap3A_74 = arith.index_cast %add3A_73 : i32 to index
        %swap3A_75 = tpu.vector_load %arg7[%swap3A_74] {strides = array<i32>} : memref<20480xf32, #tpu.memory_space<vmem>>, vector<16xf32>,
        tpu.vector_store %arg7[%swap3A_74], %broadcast_in_dim3A_33 {strides = array<i32>} : memref<20480xf32, #tpu.memory_space<vmem>>, vector<16xf32>,
        %add3A_76 = arith.constant 80 : i32
        %add3A_77 = arith.addi %mul3A_56, %add3A_76 : i32
        %swap3A_78 = arith.index_cast %add3A_77 : i32 to index
        %swap3A_79 = tpu.vector_load %arg7[%swap3A_78] {strides = array<i32>} : memref<20480xf32, #tpu.memory_space<vmem>>, vector<16xf32>,
        tpu.vector_store %arg7[%swap3A_78], %broadcast_in_dim3A_33 {strides = array<i32>} : memref<20480xf32, #tpu.memory_space<vmem>>, vector<16xf32>,
        %add3A_80 = arith.constant 96 : i32
        %add3A_81 = arith.addi %mul3A_56, %add3A_80 : i32
        %swap3A_82 = arith.index_cast %add3A_81 : i32 to index
        %swap3A_83 = tpu.vector_load %arg7[%swap3A_82] {strides = array<i32>} : memref<20480xf32, #tpu.memory_space<vmem>>, vector<16xf32>,
        tpu.vector_store %arg7[%swap3A_82], %broadcast_in_dim3A_33 {strides = array<i32>} : memref<20480xf32, #tpu.memory_space<vmem>>, vector<16xf32>,
        %add3A_84 = arith.constant 112 : i32
        %add3A_85 = arith.addi %mul3A_56, %add3A_84 : i32
        %swap3A_86 = arith.index_cast %add3A_85 : i32 to index
        %swap3A_87 = tpu.vector_load %arg7[%swap3A_86] {strides = array<i32>} : memref<20480xf32, #tpu.memory_space<vmem>>, vector<16xf32>,
        tpu.vector_store %arg7[%swap3A_86], %broadcast_in_dim3A_33 {strides = array<i32>} : memref<20480xf32, #tpu.memory_space<vmem>>, vector<16xf32>,
      }
      %scan3A_47 = arith.constant 160 : i32
      %scan3A_48 = arith.constant 0 : i32
      %scan3A_49 = arith.constant 0 : i32
      %scan3A_50 = arith.constant 512 : i32
      %scan3A_51 = arith.addi %scan3A_49, %scan3A_50 : i32
      %scan3A_52 = arith.constant 1 : i32
      scf.for %scan3A_54 = %scan3A_49 to %scan3A_51 step %scan3A_52  : i32 {
        %mul3A_55 = arith.constant 64 : i32
        %mul3A_56 = arith.muli %scan3A_54, %mul3A_55 : i32
        %add3A_57 = arith.constant 0 : i32
        %add3A_58 = arith.addi %mul3A_56, %add3A_57 : i32
        %get3A = arith.index_cast %add3A_58 : i32 to index
        %get3A_59 = tpu.vector_load %arg5[%get3A] {strides = array<i32>} : memref<32768xf32, #tpu.memory_space<vmem>>, vector<16xf32>,
        %get3A_60 = arith.index_cast %add3A_58 : i32 to index
        %get3A_61 = tpu.vector_load %arg6[%get3A_60] {strides = array<i32>} : memref<32768xi32, #tpu.memory_space<vmem>>, vector<16xi32>,
        %eq3A_62 = vector.broadcast %scan3A_41 : i32 to vector<16xi32>
        %eq3A_63 = arith.cmpi eq, %get3A_61, %eq3A_62 : vector<16xi32>
        %jit3A_64 = arith.constant 1.000000e+00 : f32
        %jit3A_65 = arith.constant 0.000000e+00 : f32
        %broadcast_in_dim3A_66 = vector.broadcast %jit3A_64 : f32 to vector<16xf32>
        %broadcast_in_dim3A_67 = vector.broadcast %jit3A_65 : f32 to vector<16xf32>
        %select_n3A_68 = arith.select %eq3A_63, %broadcast_in_dim3A_66, %broadcast_in_dim3A_67 : vector<16xi1>, vector<16xf32>
        %sub3A_69 = arith.subf %get3A_59, %select_n3A_68 : vector<16xf32>
        %abs3A = math.absf %sub3A_69 : vector<16xf32>
        %bitcast_convert_type3A = tpu.bitcast %abs3A : vector<16xf32> -> vector<16xi32>
        %shift_right_logical3A = arith.constant 14 : i32
        %shift_right_logical3A_70 = vector.broadcast %shift_right_logical3A : i32 to vector<16xi32>
        %shift_right_logical3A_71 = arith.shrui %bitcast_convert_type3A, %shift_right_logical3A_70 : vector<16xi32>
        %sub3A_72 = arith.constant 57856 : i32
        %sub3A_73 = vector.broadcast %sub3A_72 : i32 to vector<16xi32>
        %sub3A_74 = arith.subi %shift_right_logical3A_71, %sub3A_73 : vector<16xi32>
        %max3A = arith.constant 0 : i32
        %max3A_75 = vector.broadcast %max3A : i32 to vector<16xi32>
        %max3A_76 = arith.maxsi %sub3A_74, %max3A_75 : vector<16xi32>
        %min3A = arith.constant 10239 : i32
        %min3A_77 = vector.broadcast %min3A : i32 to vector<16xi32>
        %min3A_78 = arith.minsi %max3A_76, %min3A_77 : vector<16xi32>
        %jit3A_79 = arith.constant 10240 : i32
        %jit3A_80 = arith.constant 0 : i32
        %broadcast_in_dim3A_81 = vector.broadcast %jit3A_79 : i32 to vector<16xi32>
        %broadcast_in_dim3A_82 = vector.broadcast %jit3A_80 : i32 to vector<16xi32>
        %select_n3A_83 = arith.select %eq3A_63, %broadcast_in_dim3A_81, %broadcast_in_dim3A_82 : vector<16xi1>, vector<16xi32>
        %add3A_84 = arith.addi %min3A_78, %select_n3A_83 : vector<16xi32>
        tpu.vector_store_idx %arg7[%add3A_84], %broadcast_in_dim3A_35 {add = true} : memref<20480xf32, #tpu.memory_space<vmem>>[vector<16xi32>], vector<16xf32>,
        %add3A_85 = arith.constant 16 : i32
        %add3A_86 = arith.addi %mul3A_56, %add3A_85 : i32
        %get3A_87 = arith.index_cast %add3A_86 : i32 to index
        %get3A_88 = tpu.vector_load %arg5[%get3A_87] {strides = array<i32>} : memref<32768xf32, #tpu.memory_space<vmem>>, vector<16xf32>,
        %get3A_89 = arith.index_cast %add3A_86 : i32 to index
        %get3A_90 = tpu.vector_load %arg6[%get3A_89] {strides = array<i32>} : memref<32768xi32, #tpu.memory_space<vmem>>, vector<16xi32>,
        %eq3A_91 = vector.broadcast %scan3A_41 : i32 to vector<16xi32>
        %eq3A_92 = arith.cmpi eq, %get3A_90, %eq3A_91 : vector<16xi32>
        %jit3A_93 = arith.constant 1.000000e+00 : f32
        %jit3A_94 = arith.constant 0.000000e+00 : f32
        %broadcast_in_dim3A_95 = vector.broadcast %jit3A_93 : f32 to vector<16xf32>
        %broadcast_in_dim3A_96 = vector.broadcast %jit3A_94 : f32 to vector<16xf32>
        %select_n3A_97 = arith.select %eq3A_92, %broadcast_in_dim3A_95, %broadcast_in_dim3A_96 : vector<16xi1>, vector<16xf32>
        %sub3A_98 = arith.subf %get3A_88, %select_n3A_97 : vector<16xf32>
        %abs3A_99 = math.absf %sub3A_98 : vector<16xf32>
        %bitcast_convert_type3A_100 = tpu.bitcast %abs3A_99 : vector<16xf32> -> vector<16xi32>
        %shift_right_logical3A_101 = arith.constant 14 : i32
        %shift_right_logical3A_102 = vector.broadcast %shift_right_logical3A_101 : i32 to vector<16xi32>
        %shift_right_logical3A_103 = arith.shrui %bitcast_convert_type3A_100, %shift_right_logical3A_102 : vector<16xi32>
        %sub3A_104 = arith.constant 57856 : i32
        %sub3A_105 = vector.broadcast %sub3A_104 : i32 to vector<16xi32>
        %sub3A_106 = arith.subi %shift_right_logical3A_103, %sub3A_105 : vector<16xi32>
        %max3A_107 = arith.constant 0 : i32
        %max3A_108 = vector.broadcast %max3A_107 : i32 to vector<16xi32>
        %max3A_109 = arith.maxsi %sub3A_106, %max3A_108 : vector<16xi32>
        %min3A_110 = arith.constant 10239 : i32
        %min3A_111 = vector.broadcast %min3A_110 : i32 to vector<16xi32>
        %min3A_112 = arith.minsi %max3A_109, %min3A_111 : vector<16xi32>
        %jit3A_113 = arith.constant 10240 : i32
        %jit3A_114 = arith.constant 0 : i32
        %broadcast_in_dim3A_115 = vector.broadcast %jit3A_113 : i32 to vector<16xi32>
        %broadcast_in_dim3A_116 = vector.broadcast %jit3A_114 : i32 to vector<16xi32>
        %select_n3A_117 = arith.select %eq3A_92, %broadcast_in_dim3A_115, %broadcast_in_dim3A_116 : vector<16xi1>, vector<16xi32>
        %add3A_118 = arith.addi %min3A_112, %select_n3A_117 : vector<16xi32>
        tpu.vector_store_idx %arg7[%add3A_118], %broadcast_in_dim3A_35 {add = true} : memref<20480xf32, #tpu.memory_space<vmem>>[vector<16xi32>], vector<16xf32>,
        %add3A_119 = arith.constant 32 : i32
        %add3A_120 = arith.addi %mul3A_56, %add3A_119 : i32
        %get3A_121 = arith.index_cast %add3A_120 : i32 to index
        %get3A_122 = tpu.vector_load %arg5[%get3A_121] {strides = array<i32>} : memref<32768xf32, #tpu.memory_space<vmem>>, vector<16xf32>,
        %get3A_123 = arith.index_cast %add3A_120 : i32 to index
        %get3A_124 = tpu.vector_load %arg6[%get3A_123] {strides = array<i32>} : memref<32768xi32, #tpu.memory_space<vmem>>, vector<16xi32>,
        %eq3A_125 = vector.broadcast %scan3A_41 : i32 to vector<16xi32>
        %eq3A_126 = arith.cmpi eq, %get3A_124, %eq3A_125 : vector<16xi32>
        %jit3A_127 = arith.constant 1.000000e+00 : f32
        %jit3A_128 = arith.constant 0.000000e+00 : f32
        %broadcast_in_dim3A_129 = vector.broadcast %jit3A_127 : f32 to vector<16xf32>
        %broadcast_in_dim3A_130 = vector.broadcast %jit3A_128 : f32 to vector<16xf32>
        %select_n3A_131 = arith.select %eq3A_126, %broadcast_in_dim3A_129, %broadcast_in_dim3A_130 : vector<16xi1>, vector<16xf32>
        %sub3A_132 = arith.subf %get3A_122, %select_n3A_131 : vector<16xf32>
        %abs3A_133 = math.absf %sub3A_132 : vector<16xf32>
        %bitcast_convert_type3A_134 = tpu.bitcast %abs3A_133 : vector<16xf32> -> vector<16xi32>
        %shift_right_logical3A_135 = arith.constant 14 : i32
        %shift_right_logical3A_136 = vector.broadcast %shift_right_logical3A_135 : i32 to vector<16xi32>
        %shift_right_logical3A_137 = arith.shrui %bitcast_convert_type3A_134, %shift_right_logical3A_136 : vector<16xi32>
        %sub3A_138 = arith.constant 57856 : i32
        %sub3A_139 = vector.broadcast %sub3A_138 : i32 to vector<16xi32>
        %sub3A_140 = arith.subi %shift_right_logical3A_137, %sub3A_139 : vector<16xi32>
        %max3A_141 = arith.constant 0 : i32
        %max3A_142 = vector.broadcast %max3A_141 : i32 to vector<16xi32>
        %max3A_143 = arith.maxsi %sub3A_140, %max3A_142 : vector<16xi32>
        %min3A_144 = arith.constant 10239 : i32
        %min3A_145 = vector.broadcast %min3A_144 : i32 to vector<16xi32>
        %min3A_146 = arith.minsi %max3A_143, %min3A_145 : vector<16xi32>
        %jit3A_147 = arith.constant 10240 : i32
        %jit3A_148 = arith.constant 0 : i32
        %broadcast_in_dim3A_149 = vector.broadcast %jit3A_147 : i32 to vector<16xi32>
        %broadcast_in_dim3A_150 = vector.broadcast %jit3A_148 : i32 to vector<16xi32>
        %select_n3A_151 = arith.select %eq3A_126, %broadcast_in_dim3A_149, %broadcast_in_dim3A_150 : vector<16xi1>, vector<16xi32>
        %add3A_152 = arith.addi %min3A_146, %select_n3A_151 : vector<16xi32>
        tpu.vector_store_idx %arg7[%add3A_152], %broadcast_in_dim3A_35 {add = true} : memref<20480xf32, #tpu.memory_space<vmem>>[vector<16xi32>], vector<16xf32>,
        %add3A_153 = arith.constant 48 : i32
        %add3A_154 = arith.addi %mul3A_56, %add3A_153 : i32
        %get3A_155 = arith.index_cast %add3A_154 : i32 to index
        %get3A_156 = tpu.vector_load %arg5[%get3A_155] {strides = array<i32>} : memref<32768xf32, #tpu.memory_space<vmem>>, vector<16xf32>,
        %get3A_157 = arith.index_cast %add3A_154 : i32 to index
        %get3A_158 = tpu.vector_load %arg6[%get3A_157] {strides = array<i32>} : memref<32768xi32, #tpu.memory_space<vmem>>, vector<16xi32>,
        %eq3A_159 = vector.broadcast %scan3A_41 : i32 to vector<16xi32>
        %eq3A_160 = arith.cmpi eq, %get3A_158, %eq3A_159 : vector<16xi32>
        %jit3A_161 = arith.constant 1.000000e+00 : f32
        %jit3A_162 = arith.constant 0.000000e+00 : f32
        %broadcast_in_dim3A_163 = vector.broadcast %jit3A_161 : f32 to vector<16xf32>
        %broadcast_in_dim3A_164 = vector.broadcast %jit3A_162 : f32 to vector<16xf32>
        %select_n3A_165 = arith.select %eq3A_160, %broadcast_in_dim3A_163, %broadcast_in_dim3A_164 : vector<16xi1>, vector<16xf32>
        %sub3A_166 = arith.subf %get3A_156, %select_n3A_165 : vector<16xf32>
        %abs3A_167 = math.absf %sub3A_166 : vector<16xf32>
        %bitcast_convert_type3A_168 = tpu.bitcast %abs3A_167 : vector<16xf32> -> vector<16xi32>
        %shift_right_logical3A_169 = arith.constant 14 : i32
        %shift_right_logical3A_170 = vector.broadcast %shift_right_logical3A_169 : i32 to vector<16xi32>
        %shift_right_logical3A_171 = arith.shrui %bitcast_convert_type3A_168, %shift_right_logical3A_170 : vector<16xi32>
        %sub3A_172 = arith.constant 57856 : i32
        %sub3A_173 = vector.broadcast %sub3A_172 : i32 to vector<16xi32>
        %sub3A_174 = arith.subi %shift_right_logical3A_171, %sub3A_173 : vector<16xi32>
        %max3A_175 = arith.constant 0 : i32
        %max3A_176 = vector.broadcast %max3A_175 : i32 to vector<16xi32>
        %max3A_177 = arith.maxsi %sub3A_174, %max3A_176 : vector<16xi32>
        %min3A_178 = arith.constant 10239 : i32
        %min3A_179 = vector.broadcast %min3A_178 : i32 to vector<16xi32>
        %min3A_180 = arith.minsi %max3A_177, %min3A_179 : vector<16xi32>
        %jit3A_181 = arith.constant 10240 : i32
        %jit3A_182 = arith.constant 0 : i32
        %broadcast_in_dim3A_183 = vector.broadcast %jit3A_181 : i32 to vector<16xi32>
        %broadcast_in_dim3A_184 = vector.broadcast %jit3A_182 : i32 to vector<16xi32>
        %select_n3A_185 = arith.select %eq3A_160, %broadcast_in_dim3A_183, %broadcast_in_dim3A_184 : vector<16xi1>, vector<16xi32>
        %add3A_186 = arith.addi %min3A_180, %select_n3A_185 : vector<16xi32>
        tpu.vector_store_idx %arg7[%add3A_186], %broadcast_in_dim3A_35 {add = true} : memref<20480xf32, #tpu.memory_space<vmem>>[vector<16xi32>], vector<16xf32>,
      }
      %scan3A_53 = arith.constant 512 : i32
      "tpu.region"() ({
        %run_scoped3A = tpu.sem_alloc : memref<!tpu.dma_semaphore, #tpu.memory_space<semaphore_mem>>
        %dma_start3A = arith.constant 0 : i32
        %dma_start3A_54 = tpu.memref_slice %arg4[%add3A, %scan3A_41, %dma_start3A] : memref<32x19x20480xf32, #tpu.memory_space<hbm>> -> memref<1x1x20480xf32, #tpu.memory_space<hbm>>
        %dma_start3A_55 = tpu.memref_squeeze %dma_start3A_54 : memref<1x1x20480xf32, #tpu.memory_space<hbm>> -> memref<20480xf32, #tpu.memory_space<hbm>>
        %dma_start3A_56 = arith.constant 0 : i32
        %dma_start3A_57 = tpu.memref_slice %arg4[%add3A, %scan3A_41, %dma_start3A_56] : memref<32x19x20480xf32, #tpu.memory_space<hbm>> -> memref<1x1x20480xf32, #tpu.memory_space<hbm>>
        %dma_start3A_58 = tpu.memref_squeeze %dma_start3A_57 : memref<1x1x20480xf32, #tpu.memory_space<hbm>> -> memref<20480xf32, #tpu.memory_space<hbm>>
        tpu.enqueue_dma source(%arg7 : memref<20480xf32, #tpu.memory_space<vmem>>) target(%dma_start3A_58 : memref<20480xf32, #tpu.memory_space<hbm>>) target_semaphore(%run_scoped3A : memref<!tpu.dma_semaphore, #tpu.memory_space<semaphore_mem>>)
        %dma_wait3A = arith.constant 0 : i32
        %dma_wait3A_59 = tpu.memref_slice %arg4[%add3A, %scan3A_41, %dma_wait3A] : memref<32x19x20480xf32, #tpu.memory_space<hbm>> -> memref<1x1x20480xf32, #tpu.memory_space<hbm>>
        %dma_wait3A_60 = tpu.memref_squeeze %dma_wait3A_59 : memref<1x1x20480xf32, #tpu.memory_space<hbm>> -> memref<20480xf32, #tpu.memory_space<hbm>>
        %dma_wait3A_61 = arith.constant 0 : i32
        %dma_wait3A_62 = tpu.memref_slice %arg4[%add3A, %scan3A_41, %dma_wait3A_61] : memref<32x19x20480xf32, #tpu.memory_space<hbm>> -> memref<1x1x20480xf32, #tpu.memory_space<hbm>>
        %dma_wait3A_63 = tpu.memref_squeeze %dma_wait3A_62 : memref<1x1x20480xf32, #tpu.memory_space<hbm>> -> memref<20480xf32, #tpu.memory_space<hbm>>
        tpu.wait_dma2 semaphore(%run_scoped3A : memref<!tpu.dma_semaphore, #tpu.memory_space<semaphore_mem>>) src(%arg7 : memref<20480xf32, #tpu.memory_space<vmem>>) dst(%dma_wait3A_63 : memref<20480xf32, #tpu.memory_space<hbm>>)
        tpu.yield
      }) : () -> ()
    }
    %scan3A_40 = arith.constant 19 : i32
    return
  }
}

module attributes {stable_mosaic.version = 14 : i64} {
  func.func @_loss_body(%arg0: i32, %arg1: memref<1x19x20480xf32, #tpu.memory_space<vmem>>, %arg2: memref<1x1xf32, #tpu.memory_space<vmem>>, %arg3: memref<19x20480xf32, #tpu.memory_space<vmem>>) attributes {dimension_semantics = [#tpu.dimension_semantics<arbitrary>], iteration_bounds = array<i64: 32>, scalar_prefetch = 0 : i64, scratch_operands = 1 : i64, tpu.core_type = #tpu.core_type<tc>, window_params = [{transform_indices = @transform_0, window_bounds = array<i64: 1, 19, 20480>}, {pipeline_mode = #tpu.pipeline_mode<synchronous>, transform_indices = @transform_1, window_bounds = array<i64: 1, 1>}]} {
    %eq3A = arith.constant 0 : i32
    %eq3A_0 = arith.cmpi eq, %arg0, %eq3A : i32
    %convert_element_type3A = arith.extui %eq3A_0 : i1 to i32
    %cond3A = arith.constant 0 : i32
    %cond3A_1 = arith.cmpi ne, %convert_element_type3A, %cond3A : i32
    scf.if %cond3A_1 {
      %broadcast_in_dim3A = arith.constant 0.000000e+00 : f32
      %broadcast_in_dim3A_16 = vector.broadcast %broadcast_in_dim3A : f32 to vector<19x20480xf32>
      %swap3A_17 = arith.constant 0 : index
      %swap3A_18 = arith.constant 0 : index
      %swap3A_19 = vector.load %arg3[%swap3A_17, %swap3A_18] : memref<19x20480xf32, #tpu.memory_space<vmem>>, vector<19x20480xf32>
      tpu.vector_store %arg3[%swap3A_17, %swap3A_18], %broadcast_in_dim3A_16 {strides = array<i32>} : memref<19x20480xf32, #tpu.memory_space<vmem>>, vector<19x20480xf32>,
    } else {
    }
    %get3A = arith.constant 0 : index
    %get3A_2 = arith.constant 0 : index
    %get3A_3 = vector.load %arg3[%get3A, %get3A_2] : memref<19x20480xf32, #tpu.memory_space<vmem>>, vector<19x20480xf32>
    %get3A_4 = arith.constant 0 : index
    %get3A_5 = arith.constant 0 : index
    %get3A_6 = arith.constant 0 : index
    %get3A_7 = vector.load %arg1[%get3A_4, %get3A_5, %get3A_6] : memref<1x19x20480xf32, #tpu.memory_space<vmem>>, vector<1x19x20480xf32>
    %get3A_8 = vector.shape_cast %get3A_7 : vector<1x19x20480xf32> to vector<19x20480xf32>
    %add3A = arith.addf %get3A_3, %get3A_8 : vector<19x20480xf32>
    %swap3A = arith.constant 0 : index
    %swap3A_9 = arith.constant 0 : index
    %swap3A_10 = vector.load %arg3[%swap3A, %swap3A_9] : memref<19x20480xf32, #tpu.memory_space<vmem>>, vector<19x20480xf32>
    tpu.vector_store %arg3[%swap3A, %swap3A_9], %add3A {strides = array<i32>} : memref<19x20480xf32, #tpu.memory_space<vmem>>, vector<19x20480xf32>,
    %eq3A_11 = arith.constant 31 : i32
    %eq3A_12 = arith.cmpi eq, %arg0, %eq3A_11 : i32
    %convert_element_type3A_13 = arith.extui %eq3A_12 : i1 to i32
    %cond3A_14 = arith.constant 0 : i32
    %cond3A_15 = arith.cmpi ne, %convert_element_type3A_13, %cond3A_14 : i32
    scf.if %cond3A_15 {
      %get3A_16 = arith.constant 0 : index
      %get3A_17 = arith.constant 0 : index
      %get3A_18 = vector.load %arg3[%get3A_16, %get3A_17] : memref<19x20480xf32, #tpu.memory_space<vmem>>, vector<19x20480xf32>
      %slice3A = vector.extract_strided_slice %get3A_18 {offsets = [0, 0], sizes = [19, 10240], strides = [1, 1]} : vector<19x20480xf32> to vector<19x10240xf32>
      %slice3A_19 = vector.extract_strided_slice %get3A_18 {offsets = [0, 10240], sizes = [19, 10240], strides = [1, 1]} : vector<19x20480xf32> to vector<19x10240xf32>
      %add3A_20 = arith.addf %slice3A, %slice3A_19 : vector<19x10240xf32>
      %reduce_sum3A = arith.constant dense<0.000000e+00> : vector<19xf32>
      %reduce_sum3A_21 = vector.multi_reduction <add>, %slice3A_19, %reduce_sum3A [1] : vector<19x10240xf32> to vector<19xf32>
      %broadcast_in_dim3A = vector.shape_cast %reduce_sum3A_21 : vector<19xf32> to vector<19x1xf32>
      %reduce_sum3A_22 = arith.constant dense<0.000000e+00> : vector<19xf32>
      %reduce_sum3A_23 = vector.multi_reduction <add>, %add3A_20, %reduce_sum3A_22 [1] : vector<19x10240xf32> to vector<19xf32>
      %broadcast_in_dim3A_24 = vector.shape_cast %reduce_sum3A_23 : vector<19xf32> to vector<19x1xf32>
      %broadcast_in_dim3A_25 = arith.constant 0.000000e+00 : f32
      %broadcast_in_dim3A_26 = vector.broadcast %broadcast_in_dim3A_25 : f32 to vector<19x1xf32>
      %slice3A_27 = vector.extract_strided_slice %add3A_20 {offsets = [0, 0], sizes = [19, 10239], strides = [1, 1]} : vector<19x10240xf32> to vector<19x10239xf32>
      %concatenate3A = tpu.concatenate %broadcast_in_dim3A_26, %slice3A_27 in 1 : vector<19x1xf32>, vector<19x10239xf32> -> vector<19x10240xf32>
      %add3A_28 = arith.addf %add3A_20, %concatenate3A : vector<19x10240xf32>
      %broadcast_in_dim3A_29 = arith.constant 0.000000e+00 : f32
      %broadcast_in_dim3A_30 = vector.broadcast %broadcast_in_dim3A_29 : f32 to vector<19x2xf32>
      %slice3A_31 = vector.extract_strided_slice %add3A_28 {offsets = [0, 0], sizes = [19, 10238], strides = [1, 1]} : vector<19x10240xf32> to vector<19x10238xf32>
      %concatenate3A_32 = tpu.concatenate %broadcast_in_dim3A_30, %slice3A_31 in 1 : vector<19x2xf32>, vector<19x10238xf32> -> vector<19x10240xf32>
      %add3A_33 = arith.addf %add3A_28, %concatenate3A_32 : vector<19x10240xf32>
      %broadcast_in_dim3A_34 = arith.constant 0.000000e+00 : f32
      %broadcast_in_dim3A_35 = vector.broadcast %broadcast_in_dim3A_34 : f32 to vector<19x4xf32>
      %slice3A_36 = vector.extract_strided_slice %add3A_33 {offsets = [0, 0], sizes = [19, 10236], strides = [1, 1]} : vector<19x10240xf32> to vector<19x10236xf32>
      %concatenate3A_37 = tpu.concatenate %broadcast_in_dim3A_35, %slice3A_36 in 1 : vector<19x4xf32>, vector<19x10236xf32> -> vector<19x10240xf32>
      %add3A_38 = arith.addf %add3A_33, %concatenate3A_37 : vector<19x10240xf32>
      %broadcast_in_dim3A_39 = arith.constant 0.000000e+00 : f32
      %broadcast_in_dim3A_40 = vector.broadcast %broadcast_in_dim3A_39 : f32 to vector<19x8xf32>
      %slice3A_41 = vector.extract_strided_slice %add3A_38 {offsets = [0, 0], sizes = [19, 10232], strides = [1, 1]} : vector<19x10240xf32> to vector<19x10232xf32>
      %concatenate3A_42 = tpu.concatenate %broadcast_in_dim3A_40, %slice3A_41 in 1 : vector<19x8xf32>, vector<19x10232xf32> -> vector<19x10240xf32>
      %add3A_43 = arith.addf %add3A_38, %concatenate3A_42 : vector<19x10240xf32>
      %broadcast_in_dim3A_44 = arith.constant 0.000000e+00 : f32
      %broadcast_in_dim3A_45 = vector.broadcast %broadcast_in_dim3A_44 : f32 to vector<19x16xf32>
      %slice3A_46 = vector.extract_strided_slice %add3A_43 {offsets = [0, 0], sizes = [19, 10224], strides = [1, 1]} : vector<19x10240xf32> to vector<19x10224xf32>
      %concatenate3A_47 = tpu.concatenate %broadcast_in_dim3A_45, %slice3A_46 in 1 : vector<19x16xf32>, vector<19x10224xf32> -> vector<19x10240xf32>
      %add3A_48 = arith.addf %add3A_43, %concatenate3A_47 : vector<19x10240xf32>
      %broadcast_in_dim3A_49 = arith.constant 0.000000e+00 : f32
      %broadcast_in_dim3A_50 = vector.broadcast %broadcast_in_dim3A_49 : f32 to vector<19x32xf32>
      %slice3A_51 = vector.extract_strided_slice %add3A_48 {offsets = [0, 0], sizes = [19, 10208], strides = [1, 1]} : vector<19x10240xf32> to vector<19x10208xf32>
      %concatenate3A_52 = tpu.concatenate %broadcast_in_dim3A_50, %slice3A_51 in 1 : vector<19x32xf32>, vector<19x10208xf32> -> vector<19x10240xf32>
      %add3A_53 = arith.addf %add3A_48, %concatenate3A_52 : vector<19x10240xf32>
      %broadcast_in_dim3A_54 = arith.constant 0.000000e+00 : f32
      %broadcast_in_dim3A_55 = vector.broadcast %broadcast_in_dim3A_54 : f32 to vector<19x64xf32>
      %slice3A_56 = vector.extract_strided_slice %add3A_53 {offsets = [0, 0], sizes = [19, 10176], strides = [1, 1]} : vector<19x10240xf32> to vector<19x10176xf32>
      %concatenate3A_57 = tpu.concatenate %broadcast_in_dim3A_55, %slice3A_56 in 1 : vector<19x64xf32>, vector<19x10176xf32> -> vector<19x10240xf32>
      %add3A_58 = arith.addf %add3A_53, %concatenate3A_57 : vector<19x10240xf32>
      %broadcast_in_dim3A_59 = arith.constant 0.000000e+00 : f32
      %broadcast_in_dim3A_60 = vector.broadcast %broadcast_in_dim3A_59 : f32 to vector<19x128xf32>
      %slice3A_61 = vector.extract_strided_slice %add3A_58 {offsets = [0, 0], sizes = [19, 10112], strides = [1, 1]} : vector<19x10240xf32> to vector<19x10112xf32>
      %concatenate3A_62 = tpu.concatenate %broadcast_in_dim3A_60, %slice3A_61 in 1 : vector<19x128xf32>, vector<19x10112xf32> -> vector<19x10240xf32>
      %add3A_63 = arith.addf %add3A_58, %concatenate3A_62 : vector<19x10240xf32>
      %broadcast_in_dim3A_64 = arith.constant 0.000000e+00 : f32
      %broadcast_in_dim3A_65 = vector.broadcast %broadcast_in_dim3A_64 : f32 to vector<19x256xf32>
      %slice3A_66 = vector.extract_strided_slice %add3A_63 {offsets = [0, 0], sizes = [19, 9984], strides = [1, 1]} : vector<19x10240xf32> to vector<19x9984xf32>
      %concatenate3A_67 = tpu.concatenate %broadcast_in_dim3A_65, %slice3A_66 in 1 : vector<19x256xf32>, vector<19x9984xf32> -> vector<19x10240xf32>
      %add3A_68 = arith.addf %add3A_63, %concatenate3A_67 : vector<19x10240xf32>
      %broadcast_in_dim3A_69 = arith.constant 0.000000e+00 : f32
      %broadcast_in_dim3A_70 = vector.broadcast %broadcast_in_dim3A_69 : f32 to vector<19x512xf32>
      %slice3A_71 = vector.extract_strided_slice %add3A_68 {offsets = [0, 0], sizes = [19, 9728], strides = [1, 1]} : vector<19x10240xf32> to vector<19x9728xf32>
      %concatenate3A_72 = tpu.concatenate %broadcast_in_dim3A_70, %slice3A_71 in 1 : vector<19x512xf32>, vector<19x9728xf32> -> vector<19x10240xf32>
      %add3A_73 = arith.addf %add3A_68, %concatenate3A_72 : vector<19x10240xf32>
      %broadcast_in_dim3A_74 = arith.constant 0.000000e+00 : f32
      %broadcast_in_dim3A_75 = vector.broadcast %broadcast_in_dim3A_74 : f32 to vector<19x1024xf32>
      %slice3A_76 = vector.extract_strided_slice %add3A_73 {offsets = [0, 0], sizes = [19, 9216], strides = [1, 1]} : vector<19x10240xf32> to vector<19x9216xf32>
      %concatenate3A_77 = tpu.concatenate %broadcast_in_dim3A_75, %slice3A_76 in 1 : vector<19x1024xf32>, vector<19x9216xf32> -> vector<19x10240xf32>
      %add3A_78 = arith.addf %add3A_73, %concatenate3A_77 : vector<19x10240xf32>
      %broadcast_in_dim3A_79 = arith.constant 0.000000e+00 : f32
      %broadcast_in_dim3A_80 = vector.broadcast %broadcast_in_dim3A_79 : f32 to vector<19x2048xf32>
      %slice3A_81 = vector.extract_strided_slice %add3A_78 {offsets = [0, 0], sizes = [19, 8192], strides = [1, 1]} : vector<19x10240xf32> to vector<19x8192xf32>
      %concatenate3A_82 = tpu.concatenate %broadcast_in_dim3A_80, %slice3A_81 in 1 : vector<19x2048xf32>, vector<19x8192xf32> -> vector<19x10240xf32>
      %add3A_83 = arith.addf %add3A_78, %concatenate3A_82 : vector<19x10240xf32>
      %broadcast_in_dim3A_84 = arith.constant 0.000000e+00 : f32
      %broadcast_in_dim3A_85 = vector.broadcast %broadcast_in_dim3A_84 : f32 to vector<19x4096xf32>
      %slice3A_86 = vector.extract_strided_slice %add3A_83 {offsets = [0, 0], sizes = [19, 6144], strides = [1, 1]} : vector<19x10240xf32> to vector<19x6144xf32>
      %concatenate3A_87 = tpu.concatenate %broadcast_in_dim3A_85, %slice3A_86 in 1 : vector<19x4096xf32>, vector<19x6144xf32> -> vector<19x10240xf32>
      %add3A_88 = arith.addf %add3A_83, %concatenate3A_87 : vector<19x10240xf32>
      %broadcast_in_dim3A_89 = arith.constant 0.000000e+00 : f32
      %broadcast_in_dim3A_90 = vector.broadcast %broadcast_in_dim3A_89 : f32 to vector<19x8192xf32>
      %slice3A_91 = vector.extract_strided_slice %add3A_88 {offsets = [0, 0], sizes = [19, 2048], strides = [1, 1]} : vector<19x10240xf32> to vector<19x2048xf32>
      %concatenate3A_92 = tpu.concatenate %broadcast_in_dim3A_90, %slice3A_91 in 1 : vector<19x8192xf32>, vector<19x2048xf32> -> vector<19x10240xf32>
      %add3A_93 = arith.addf %add3A_88, %concatenate3A_92 : vector<19x10240xf32>
      %broadcast_in_dim3A_94 = arith.constant 0.000000e+00 : f32
      %broadcast_in_dim3A_95 = vector.broadcast %broadcast_in_dim3A_94 : f32 to vector<19x1xf32>
      %slice3A_96 = vector.extract_strided_slice %slice3A_19 {offsets = [0, 0], sizes = [19, 10239], strides = [1, 1]} : vector<19x10240xf32> to vector<19x10239xf32>
      %concatenate3A_97 = tpu.concatenate %broadcast_in_dim3A_95, %slice3A_96 in 1 : vector<19x1xf32>, vector<19x10239xf32> -> vector<19x10240xf32>
      %add3A_98 = arith.addf %slice3A_19, %concatenate3A_97 : vector<19x10240xf32>
      %broadcast_in_dim3A_99 = arith.constant 0.000000e+00 : f32
      %broadcast_in_dim3A_100 = vector.broadcast %broadcast_in_dim3A_99 : f32 to vector<19x2xf32>
      %slice3A_101 = vector.extract_strided_slice %add3A_98 {offsets = [0, 0], sizes = [19, 10238], strides = [1, 1]} : vector<19x10240xf32> to vector<19x10238xf32>
      %concatenate3A_102 = tpu.concatenate %broadcast_in_dim3A_100, %slice3A_101 in 1 : vector<19x2xf32>, vector<19x10238xf32> -> vector<19x10240xf32>
      %add3A_103 = arith.addf %add3A_98, %concatenate3A_102 : vector<19x10240xf32>
      %broadcast_in_dim3A_104 = arith.constant 0.000000e+00 : f32
      %broadcast_in_dim3A_105 = vector.broadcast %broadcast_in_dim3A_104 : f32 to vector<19x4xf32>
      %slice3A_106 = vector.extract_strided_slice %add3A_103 {offsets = [0, 0], sizes = [19, 10236], strides = [1, 1]} : vector<19x10240xf32> to vector<19x10236xf32>
      %concatenate3A_107 = tpu.concatenate %broadcast_in_dim3A_105, %slice3A_106 in 1 : vector<19x4xf32>, vector<19x10236xf32> -> vector<19x10240xf32>
      %add3A_108 = arith.addf %add3A_103, %concatenate3A_107 : vector<19x10240xf32>
      %broadcast_in_dim3A_109 = arith.constant 0.000000e+00 : f32
      %broadcast_in_dim3A_110 = vector.broadcast %broadcast_in_dim3A_109 : f32 to vector<19x8xf32>
      %slice3A_111 = vector.extract_strided_slice %add3A_108 {offsets = [0, 0], sizes = [19, 10232], strides = [1, 1]} : vector<19x10240xf32> to vector<19x10232xf32>
      %concatenate3A_112 = tpu.concatenate %broadcast_in_dim3A_110, %slice3A_111 in 1 : vector<19x8xf32>, vector<19x10232xf32> -> vector<19x10240xf32>
      %add3A_113 = arith.addf %add3A_108, %concatenate3A_112 : vector<19x10240xf32>
      %broadcast_in_dim3A_114 = arith.constant 0.000000e+00 : f32
      %broadcast_in_dim3A_115 = vector.broadcast %broadcast_in_dim3A_114 : f32 to vector<19x16xf32>
      %slice3A_116 = vector.extract_strided_slice %add3A_113 {offsets = [0, 0], sizes = [19, 10224], strides = [1, 1]} : vector<19x10240xf32> to vector<19x10224xf32>
      %concatenate3A_117 = tpu.concatenate %broadcast_in_dim3A_115, %slice3A_116 in 1 : vector<19x16xf32>, vector<19x10224xf32> -> vector<19x10240xf32>
      %add3A_118 = arith.addf %add3A_113, %concatenate3A_117 : vector<19x10240xf32>
      %broadcast_in_dim3A_119 = arith.constant 0.000000e+00 : f32
      %broadcast_in_dim3A_120 = vector.broadcast %broadcast_in_dim3A_119 : f32 to vector<19x32xf32>
      %slice3A_121 = vector.extract_strided_slice %add3A_118 {offsets = [0, 0], sizes = [19, 10208], strides = [1, 1]} : vector<19x10240xf32> to vector<19x10208xf32>
      %concatenate3A_122 = tpu.concatenate %broadcast_in_dim3A_120, %slice3A_121 in 1 : vector<19x32xf32>, vector<19x10208xf32> -> vector<19x10240xf32>
      %add3A_123 = arith.addf %add3A_118, %concatenate3A_122 : vector<19x10240xf32>
      %broadcast_in_dim3A_124 = arith.constant 0.000000e+00 : f32
      %broadcast_in_dim3A_125 = vector.broadcast %broadcast_in_dim3A_124 : f32 to vector<19x64xf32>
      %slice3A_126 = vector.extract_strided_slice %add3A_123 {offsets = [0, 0], sizes = [19, 10176], strides = [1, 1]} : vector<19x10240xf32> to vector<19x10176xf32>
      %concatenate3A_127 = tpu.concatenate %broadcast_in_dim3A_125, %slice3A_126 in 1 : vector<19x64xf32>, vector<19x10176xf32> -> vector<19x10240xf32>
      %add3A_128 = arith.addf %add3A_123, %concatenate3A_127 : vector<19x10240xf32>
      %broadcast_in_dim3A_129 = arith.constant 0.000000e+00 : f32
      %broadcast_in_dim3A_130 = vector.broadcast %broadcast_in_dim3A_129 : f32 to vector<19x128xf32>
      %slice3A_131 = vector.extract_strided_slice %add3A_128 {offsets = [0, 0], sizes = [19, 10112], strides = [1, 1]} : vector<19x10240xf32> to vector<19x10112xf32>
      %concatenate3A_132 = tpu.concatenate %broadcast_in_dim3A_130, %slice3A_131 in 1 : vector<19x128xf32>, vector<19x10112xf32> -> vector<19x10240xf32>
      %add3A_133 = arith.addf %add3A_128, %concatenate3A_132 : vector<19x10240xf32>
      %broadcast_in_dim3A_134 = arith.constant 0.000000e+00 : f32
      %broadcast_in_dim3A_135 = vector.broadcast %broadcast_in_dim3A_134 : f32 to vector<19x256xf32>
      %slice3A_136 = vector.extract_strided_slice %add3A_133 {offsets = [0, 0], sizes = [19, 9984], strides = [1, 1]} : vector<19x10240xf32> to vector<19x9984xf32>
      %concatenate3A_137 = tpu.concatenate %broadcast_in_dim3A_135, %slice3A_136 in 1 : vector<19x256xf32>, vector<19x9984xf32> -> vector<19x10240xf32>
      %add3A_138 = arith.addf %add3A_133, %concatenate3A_137 : vector<19x10240xf32>
      %broadcast_in_dim3A_139 = arith.constant 0.000000e+00 : f32
      %broadcast_in_dim3A_140 = vector.broadcast %broadcast_in_dim3A_139 : f32 to vector<19x512xf32>
      %slice3A_141 = vector.extract_strided_slice %add3A_138 {offsets = [0, 0], sizes = [19, 9728], strides = [1, 1]} : vector<19x10240xf32> to vector<19x9728xf32>
      %concatenate3A_142 = tpu.concatenate %broadcast_in_dim3A_140, %slice3A_141 in 1 : vector<19x512xf32>, vector<19x9728xf32> -> vector<19x10240xf32>
      %add3A_143 = arith.addf %add3A_138, %concatenate3A_142 : vector<19x10240xf32>
      %broadcast_in_dim3A_144 = arith.constant 0.000000e+00 : f32
      %broadcast_in_dim3A_145 = vector.broadcast %broadcast_in_dim3A_144 : f32 to vector<19x1024xf32>
      %slice3A_146 = vector.extract_strided_slice %add3A_143 {offsets = [0, 0], sizes = [19, 9216], strides = [1, 1]} : vector<19x10240xf32> to vector<19x9216xf32>
      %concatenate3A_147 = tpu.concatenate %broadcast_in_dim3A_145, %slice3A_146 in 1 : vector<19x1024xf32>, vector<19x9216xf32> -> vector<19x10240xf32>
      %add3A_148 = arith.addf %add3A_143, %concatenate3A_147 : vector<19x10240xf32>
      %broadcast_in_dim3A_149 = arith.constant 0.000000e+00 : f32
      %broadcast_in_dim3A_150 = vector.broadcast %broadcast_in_dim3A_149 : f32 to vector<19x2048xf32>
      %slice3A_151 = vector.extract_strided_slice %add3A_148 {offsets = [0, 0], sizes = [19, 8192], strides = [1, 1]} : vector<19x10240xf32> to vector<19x8192xf32>
      %concatenate3A_152 = tpu.concatenate %broadcast_in_dim3A_150, %slice3A_151 in 1 : vector<19x2048xf32>, vector<19x8192xf32> -> vector<19x10240xf32>
      %add3A_153 = arith.addf %add3A_148, %concatenate3A_152 : vector<19x10240xf32>
      %broadcast_in_dim3A_154 = arith.constant 0.000000e+00 : f32
      %broadcast_in_dim3A_155 = vector.broadcast %broadcast_in_dim3A_154 : f32 to vector<19x4096xf32>
      %slice3A_156 = vector.extract_strided_slice %add3A_153 {offsets = [0, 0], sizes = [19, 6144], strides = [1, 1]} : vector<19x10240xf32> to vector<19x6144xf32>
      %concatenate3A_157 = tpu.concatenate %broadcast_in_dim3A_155, %slice3A_156 in 1 : vector<19x4096xf32>, vector<19x6144xf32> -> vector<19x10240xf32>
      %add3A_158 = arith.addf %add3A_153, %concatenate3A_157 : vector<19x10240xf32>
      %broadcast_in_dim3A_159 = arith.constant 0.000000e+00 : f32
      %broadcast_in_dim3A_160 = vector.broadcast %broadcast_in_dim3A_159 : f32 to vector<19x8192xf32>
      %slice3A_161 = vector.extract_strided_slice %add3A_158 {offsets = [0, 0], sizes = [19, 2048], strides = [1, 1]} : vector<19x10240xf32> to vector<19x2048xf32>
      %concatenate3A_162 = tpu.concatenate %broadcast_in_dim3A_160, %slice3A_161 in 1 : vector<19x8192xf32>, vector<19x2048xf32> -> vector<19x10240xf32>
      %add3A_163 = arith.addf %add3A_158, %concatenate3A_162 : vector<19x10240xf32>
      %sub3A = vector.broadcast %broadcast_in_dim3A_24 : vector<19x1xf32> to vector<19x10240xf32>
      %sub3A_164 = arith.subf %sub3A, %add3A_93 : vector<19x10240xf32>
      %add3A_165 = arith.addf %sub3A_164, %add3A_20 : vector<19x10240xf32>
      %sub3A_166 = vector.broadcast %broadcast_in_dim3A : vector<19x1xf32> to vector<19x10240xf32>
      %sub3A_167 = arith.subf %sub3A_166, %add3A_163 : vector<19x10240xf32>
      %add3A_168 = arith.addf %sub3A_167, %slice3A_19 : vector<19x10240xf32>
      %sub3A_169 = arith.subf %add3A_165, %add3A_20 : vector<19x10240xf32>
      %sub3A_170 = arith.subf %add3A_168, %slice3A_19 : vector<19x10240xf32>
      %iota3A = tpu.iota {dimensions = array<i32: 1>} : vector<19x10240xi32>
      %add3A_171 = arith.constant 57856 : i32
      %add3A_172 = vector.broadcast %add3A_171 : i32 to vector<19x10240xi32>
      %add3A_173 = arith.addi %iota3A, %add3A_172 : vector<19x10240xi32>
      %shift_left3A = arith.constant 14 : i32
      %shift_left3A_174 = vector.broadcast %shift_left3A : i32 to vector<19x10240xi32>
      %shift_left3A_175 = arith.shli %add3A_173, %shift_left3A_174 : vector<19x10240xi32>
      %add3A_176 = arith.constant 8192 : i32
      %add3A_177 = vector.broadcast %add3A_176 : i32 to vector<19x10240xi32>
      %add3A_178 = arith.addi %shift_left3A_175, %add3A_177 : vector<19x10240xi32>
      %bitcast_convert_type3A = tpu.bitcast %add3A_178 : vector<19x10240xi32> -> vector<19x10240xf32>
      %add3A_179 = vector.broadcast %broadcast_in_dim3A : vector<19x1xf32> to vector<19x10240xf32>
      %add3A_180 = arith.addf %add3A_179, %add3A_165 : vector<19x10240xf32>
      %sub3A_181 = arith.subf %add3A_180, %add3A_168 : vector<19x10240xf32>
      %max3A = arith.constant 1.000000e+00 : f32
      %max3A_182 = vector.broadcast %max3A : f32 to vector<19x10240xf32>
      %max3A_183 = arith.maximumf %sub3A_181, %max3A_182 : vector<19x10240xf32>
      %sub3A_184 = vector.broadcast %broadcast_in_dim3A : vector<19x1xf32> to vector<19x10240xf32>
      %sub3A_185 = arith.subf %sub3A_184, %add3A_168 : vector<19x10240xf32>
      %div3A = arith.divf %sub3A_185, %max3A_183 : vector<19x10240xf32>
      %sub3A_186 = arith.constant 1.000000e+00 : f32
      %sub3A_187 = vector.broadcast %sub3A_186 : f32 to vector<19x10240xf32>
      %sub3A_188 = arith.subf %sub3A_187, %div3A : vector<19x10240xf32>
      %add3A_189 = vector.broadcast %broadcast_in_dim3A : vector<19x1xf32> to vector<19x10240xf32>
      %add3A_190 = arith.addf %add3A_189, %sub3A_169 : vector<19x10240xf32>
      %sub3A_191 = arith.subf %add3A_190, %sub3A_170 : vector<19x10240xf32>
      %max3A_192 = arith.constant 1.000000e+00 : f32
      %max3A_193 = vector.broadcast %max3A_192 : f32 to vector<19x10240xf32>
      %max3A_194 = arith.maximumf %sub3A_191, %max3A_193 : vector<19x10240xf32>
      %sub3A_195 = vector.broadcast %broadcast_in_dim3A : vector<19x1xf32> to vector<19x10240xf32>
      %sub3A_196 = arith.subf %sub3A_195, %sub3A_170 : vector<19x10240xf32>
      %div3A_197 = arith.divf %sub3A_196, %max3A_194 : vector<19x10240xf32>
      %sub3A_198 = arith.constant 1.000000e+00 : f32
      %sub3A_199 = vector.broadcast %sub3A_198 : f32 to vector<19x10240xf32>
      %sub3A_200 = arith.subf %sub3A_199, %div3A_197 : vector<19x10240xf32>
      %sub3A_201 = arith.subf %sub3A_188, %sub3A_200 : vector<19x10240xf32>
      %mul3A = arith.mulf %bitcast_convert_type3A, %sub3A_201 : vector<19x10240xf32>
      %reduce_sum3A_202 = arith.constant dense<0.000000e+00> : vector<19xf32>
      %reduce_sum3A_203 = vector.multi_reduction <add>, %mul3A, %reduce_sum3A_202 [1] : vector<19x10240xf32> to vector<19xf32>
      %broadcast_in_dim3A_204 = vector.shape_cast %reduce_sum3A_203 : vector<19xf32> to vector<19x1xf32>
      %gt3A = arith.constant 0.000000e+00 : f32
      %gt3A_205 = vector.broadcast %gt3A : f32 to vector<19x1xf32>
      %gt3A_206 = arith.cmpf ogt, %broadcast_in_dim3A, %gt3A_205 : vector<19x1xf32>
      %convert_element_type3A_207 = arith.extui %gt3A_206 : vector<19x1xi1> to vector<19x1xi32>
      %convert_element_type3A_208 = arith.sitofp %convert_element_type3A_207 : vector<19x1xi32> to vector<19x1xf32>
      %mul3A_209 = arith.mulf %broadcast_in_dim3A_204, %convert_element_type3A_208 : vector<19x1xf32>
      %reduce_sum3A_210 = vector.shape_cast %mul3A_209 : vector<19x1xf32> to vector<1x19x1xf32>
      %reduce_sum3A_211 = arith.constant dense<0.000000e+00> : vector<1xf32>
      %reduce_sum3A_212 = vector.multi_reduction <add>, %reduce_sum3A_210, %reduce_sum3A_211 [1, 2] : vector<1x19x1xf32> to vector<1xf32>
      %reduce_sum3A_213 = vector.shape_cast %reduce_sum3A_212 : vector<1xf32> to vector<1x1x1xf32>
      %reduce_sum3A_214 = vector.extract %reduce_sum3A_213[0, 0, 0] : f32 from vector<1x1x1xf32>
      %broadcast_in_dim3A_215 = vector.broadcast %reduce_sum3A_214 : f32 to vector<1x1xf32>
      %reduce_sum3A_216 = vector.shape_cast %convert_element_type3A_208 : vector<19x1xf32> to vector<1x19x1xf32>
      %reduce_sum3A_217 = arith.constant dense<0.000000e+00> : vector<1xf32>
      %reduce_sum3A_218 = vector.multi_reduction <add>, %reduce_sum3A_216, %reduce_sum3A_217 [1, 2] : vector<1x19x1xf32> to vector<1xf32>
      %reduce_sum3A_219 = vector.shape_cast %reduce_sum3A_218 : vector<1xf32> to vector<1x1x1xf32>
      %reduce_sum3A_220 = vector.extract %reduce_sum3A_219[0, 0, 0] : f32 from vector<1x1x1xf32>
      %broadcast_in_dim3A_221 = vector.broadcast %reduce_sum3A_220 : f32 to vector<1x1xf32>
      %div3A_222 = arith.divf %broadcast_in_dim3A_215, %broadcast_in_dim3A_221 : vector<1x1xf32>
      %swap3A_223 = arith.constant 0 : index
      %swap3A_224 = arith.constant 0 : index
      %swap3A_225 = vector.load %arg2[%swap3A_223, %swap3A_224] : memref<1x1xf32, #tpu.memory_space<vmem>>, vector<1x1xf32>
      tpu.vector_store %arg2[%swap3A_223, %swap3A_224], %div3A_222 {strides = array<i32>} : memref<1x1xf32, #tpu.memory_space<vmem>>, vector<1x1xf32>,
    } else {
    }
    return
  }
  func.func @transform_0(%arg0: i32) -> (i32, i32, i32) {
    %c0_i32 = arith.constant 0 : i32
    %c0_i32_0 = arith.constant 0 : i32
    %c0_i32_1 = arith.constant 0 : i32
    return %arg0, %c0_i32, %c0_i32_0 : i32, i32, i32
  }
  func.func @transform_1(%arg0: i32) -> (i32, i32) {
    %c0_i32 = arith.constant 0 : i32
    %c0_i32_0 = arith.constant 0 : i32
    %c0_i32_1 = arith.constant 0 : i32
    return %c0_i32, %c0_i32_0 : i32, i32
  }
}

</mosaic_0001>

<sc_bundles>
// kernel: kernel.4.cloned.1.call-start
scs
__scs_entry_jumppad:
0x0: {  	(pc) =	sbr.rel $0x88, $3  }
0x1: {  	(tag) =	ssettag $0x0;
	lr =	simm.s32 $0x1  }
0x2: {  	[smem:$0x3F9F] =	sst lr;
	_ =	strace $0xD0000000  }
0x3: {  	_ = 	snop  }
0x4: {  	_ = 	snop  }
0x5: {  	_ = 	snop  }
0x6: {  	_ = 	snop  }
0x7: {  	_ = 	snop  }
__scs_overlays_trampoline_lowered:
0x8: {  	[smem:$0x3FAE] =	sst s0  }
0x9: {  	[smem:$0x3FAF] =	sst s1  }
0xa: {  	[smem:$0x3FB0] =	sst s2  }
0xb: {  	[smem:$0x3FB1] =	sst s3  }
0xc: {  	[smem:$0x3FB2] =	sst s4  }
0xd: {  	[smem:$0x3FB3] =	sst s5  }
0xe: {  	[smem:$0x3FB4] =	sst s6  }
0xf: {  	[smem:$0x3FB5] =	sst s7  }
0x10: {  	[smem:$0x3FB6] =	sst s8  }
0x11: {  	[smem:$0x3FB7] =	sst s9;
	s0 =	simm.s32 @!p0 $0x0  }
0x12: {  	s1 =	sld [smem:$0x3F9D];
	s0 =	simm.s32 @p0 $0x1  }
0x13: {  	[smem:$0x3FB8] =	sst s0;
	s0 =	simm.s32 @!p1 $0x0  }
0x14: {  	s2 =	sld [smem:$0x3F9C];
	s0 =	simm.s32 @p1 $0x1  }
0x15: {  	[smem:$0x3FB9] =	sst s0;
	s0 =	simm.s32 @!p2 $0x0  }
0x16: {  	s3 =	sld [smem:$0x3FDB];
	s0 =	simm.s32 @p2 $0x1  }
0x17: {  	s4 =	simm.s32 $0x1BF5;
	[smem:$0x3FBB] =	sst s0  }
0x18: {  	s0 =	sld [smem:$0x3F9E];
	_ =	swait.ge [sflag:s4], $0x0  }
0x19: {  	s7 =	sld [smem:$0x3F9F]  }
0x1a: {  	s8 =	sadd.s32 $0xFFFFE003, lr  }
0x1b: {  	s9 =	sadd.s32 $0xFFFFFEF7, lr;
	s5 =	simm.s32 $0xFFFFFFFF;
	p2 =	slt.u32 s8, $0xFFFFF086  }
0x1c: {  	p1 =	slt.u32 s9, $0xF7A;
	s5 =	simm.s32 @!p2 $0x0  }
0x1d: {  	s5 =	simm.s32 @p1 $0x1;
	p0 =	seq.s32 s7, s2  }
0x1e: {  	s7 =	smul.u32 @!p0 $0xF7A, s2;
	p2 =	seq.s32 @!p0 s5, $0x0  }
0x1f: {  	s9 =	smul.u32 $0xF7A, s1;
	s8 =	simm.s32 @!p0 $0x1BF5;
	p2 =	por !p2, p0  }
0x20: {  	[sflag:s8] =	ssyncset.s32 @!p0 $0xFFFFF086;
	s6 =	sadd.s32 @!p0 s3, s7;
	s7 =	simm.s32 @!p0 $0x108  }
0x21: {  	s3 =	sadd.s32 s3, s9;
	s6 =	sadd.s32 @!p0 $0x88, s6;
	s7 =	simm.s32 @p2 $0x1082  }
0x22: {  	[simem:s7], [sflag:s8] =	dma.local @!p0 [hbm:s6], $0xF7A  }
0x23: {  	s9 =	sor.u32 $0xD0000000, s2;
	s6 =	simm.s32 $0x108;
	_ =	swait.ge @!p0 [sflag:s8], $0x0  }
0x24: {  	s3 =	sadd.s32 $0x88, s3;
	s6 =	simm.s32 @!p1 $0x1082;
	[sflag:s4] =	ssyncset.s32 $0xFFFFF086  }
0x25: {  	[simem:s6], [sflag:s4] =	dma.local [hbm:s3], $0xF7A  }
0x26: {  	[smem:$0x3F9F] =	sst s1;
	(tag) =	ssettag s2;
	_ =	strace s9  }
0x27: {  	s1 =	sld [smem:$0x3FAF]  }
0x28: {  	s2 =	sld [smem:$0x3FB0]  }
0x29: {  	s4 =	sld [smem:$0x3FB2]  }
0x2a: {  	p0 =	seq.s32 s5, $0x0;
	s5 =	sld [smem:$0x3FB3]  }
0x2b: {  	s6 =	sld [smem:$0x3FB4]  }
0x2c: {  	s7 =	sld [smem:$0x3FB5]  }
0x2d: {  	s3 =	simm.s32 $0x108;
	s8 =	sld [smem:$0x3FB6]  }
0x2e: {  	s3 =	simm.s32 @!p0 $0x1082;
	s9 =	sld [smem:$0x3FB7]  }
0x2f: {  	lr =	sadd.s32 s0, s3;
	s0 =	sld [smem:$0x3FAE]  }
0x30: {  	s3 =	sld [smem:$0x3FB1]  }
0x31: {  	[smem:$0x3FBA] =	sst s10  }
0x32: {  	s10 =	sld [smem:$0x3FB8];
	_ =	sdelay $0x3  }
0x33: {  	p0 =	seq.s32 s10, $0x1;
	s10 =	sld [smem:$0x3FBA];
	_ =	sdelay $0x3  }
0x34: {  	[smem:$0x3FBA] =	sst s10  }
0x35: {  	s10 =	sld [smem:$0x3FB9];
	_ =	sdelay $0x3  }
0x36: {  	p1 =	seq.s32 s10, $0x1;
	s10 =	sld [smem:$0x3FBA];
	_ =	sdelay $0x3  }
0x37: {  	[smem:$0x3FBA] =	sst s10  }
0x38: {  	s10 =	sld [smem:$0x3FBB]  }
0x39: {  	_ = 	snop;
	(pc) =	sbr.ind lr, $3  }
0x3a: {  	_ = 	snop  }
0x3b: {  	_ = 	snop  }
0x3c: {  	p2 =	seq.s32 s10, $0x1;
	s10 =	sld [smem:$0x3FBA]  }
0x3d: {  	_ =	shalt  }
0x3e: {  	_ =	shalt  }
0x3f: {  	_ =	shalt  }
0x40: {  	_ =	shalt  }
0x41: {  	_ =	shalt  }
0x42: {  	_ =	shalt  }
0x43: {  	_ =	shalt  }
0x44: {  	_ =	shalt  }
0x45: {  	_ =	shalt  }
0x46: {  	_ =	shalt  }
0x47: {  	_ =	shalt  }
0x48: {  	_ =	shalt  }
0x49: {  	_ =	shalt  }
0x4a: {  	_ =	shalt  }
0x4b: {  	_ =	shalt  }
0x4c: {  	_ =	shalt  }
0x4d: {  	_ =	shalt  }
0x4e: {  	_ =	shalt  }
0x4f: {  	_ =	shalt  }
0x50: {  	_ =	shalt  }
0x51: {  	_ =	shalt  }
0x52: {  	_ =	shalt  }
0x53: {  	_ =	shalt  }
0x54: {  	_ =	shalt  }
0x55: {  	_ =	shalt  }
0x56: {  	_ =	shalt  }
0x57: {  	_ =	shalt  }
0x58: {  	_ =	shalt  }
0x59: {  	_ =	shalt  }
0x5a: {  	_ =	shalt  }
0x5b: {  	_ =	shalt  }
0x5c: {  	_ =	shalt  }
0x5d: {  	_ =	shalt  }
0x5e: {  	_ =	shalt  }
0x5f: {  	_ =	shalt  }
0x60: {  	_ =	shalt  }
0x61: {  	_ =	shalt  }
0x62: {  	_ =	shalt  }
0x63: {  	_ =	shalt  }
0x64: {  	_ =	shalt  }
0x65: {  	_ =	shalt  }
0x66: {  	_ =	shalt  }
0x67: {  	_ =	shalt  }
0x68: {  	_ =	shalt  }
0x69: {  	_ =	shalt  }
0x6a: {  	_ =	shalt  }
0x6b: {  	_ =	shalt  }
0x6c: {  	_ =	shalt  }
0x6d: {  	_ =	shalt  }
0x6e: {  	_ =	shalt  }
0x6f: {  	_ =	shalt  }
0x70: {  	_ =	shalt  }
0x71: {  	_ =	shalt  }
0x72: {  	_ =	shalt  }
0x73: {  	_ =	shalt  }
0x74: {  	_ =	shalt  }
0x75: {  	_ =	shalt  }
0x76: {  	_ =	shalt  }
0x77: {  	_ =	shalt  }
0x78: {  	_ =	shalt  }
0x79: {  	_ =	shalt  }
0x7a: {  	_ =	shalt  }
0x7b: {  	_ =	shalt  }
0x7c: {  	_ =	shalt  }
0x7d: {  	_ =	shalt  }
0x7e: {  	_ =	shalt  }
0x7f: {  	_ =	shalt  }
0x80: {  	_ =	shalt  }
0x81: {  	_ =	shalt  }
0x82: {  	_ =	shalt  }
0x83: {  	_ =	shalt  }
0x84: {  	_ =	shalt  }
0x85: {  	_ =	shalt  }
0x86: {  	_ =	shalt  }
0x87: {  	_ =	shalt  }
.Lfunc_end0:
.L_simem_size_0:
called_computation_lowered:
.L_overlay_start_0:
0x88: {  	s2 =	sld [smem:$0x3FD9]  }
0x89: {  	s3 =	sld [smem:$0x3FFE];
	_ =	sdelay $0x1  }
0x8a: {  	s1 =	srdreg.scid  }
0x8b: {  	s0 =	sand.u32 $0x1, s1  }
0x8c: {  	s16 =	sshll.u32 s0, $0xA;
	s2 =	sadd.s32 s3, s2  }
0x8d: {  	s2 =	sadd.s32 s2, s16  }
0x8e: {  	[smem:$0x3FC6] =	sst s2  }
0x8f: {  	_ = 	snop  }
0x90: {  	(tm) =	ssettm $0x1  }
0x91: {  	s17 =	sld [smem:$0x3FFB];
	_ =	sdelay $0x3  }
0x92: {  	_ =	strace s17  }
0x93: {  	s2 =	sld [smem:$0x3FFC];
	_ =	sdelay $0x3  }
0x94: {  	_ =	strace s2  }
0x95: {  	s2 =	sld [smem:$0x3FFD];
	_ =	sdelay $0x3  }
0x96: {  	_ =	strace s2  }
0x97: {  	_ =	strace $0x8FFFFFFF  }
0x98: {  	s18 =	sld [smem:$0x3FDB];
	_ =	sdelay $0x1  }
0x99: {  	s19 =	simm.s32 $_scs_section_size  }
0x9a: {  	s4 =	simm.s32 $_size__tile_overlayer_lowered;
	s5 =	simm.s32 $_tile_overlayer_lowered  }
0x9b: {  	s22 =	simm.s32 $0x1BFF;
	s21 =	sshll.u32 s5, $0x1;
	s2 =	sadd.s32 s19, s18  }
0x9c: {  	s6 =	simm.s32 $0x0;
	s20 =	sshll.u32 s4, $0x1;
	s4 =	sadd.s32 s21, s2  }
0x9d: {  	[timem:s6], [sflag:s22] =	dma.local [hbm:s4], s20  }
0x9e: {  	_ =	swait.ge [sflag:s22], s20  }
0x9f: {  	s3 =	ssub.s32 $0x0, s20;
	[sflag:s22] =	ssyncset.done $0x0  }
0xa0: {  	[sflag:s22] =	ssyncadd.s32 s3;
	_ =	sdelay $0x1  }
0xa1: {  	s23 =	simm.s32 $0x1B8B  }
0xa2: {  	_ =	swait.ge [sflag:s23], $0x1  }
0xa3: {  	[sflag:s23] =	ssyncset.done $0x0  }
0xa4: {  	s25 =	simm.s32 $0x1B8E;
	s24 =	sld [smem:$0x3FFE];
	[sflag:s23] =	ssyncadd.s32 $0xFFFFFFFF  }
0xa5: {  	s26 =	simm.s32 $execute0_lowered;
	[smem:$0x3FD2] =	sst s25  }
0xa6: {  	s4 =	sshll.u32 s26, $0x1;
	_ =	strace $0x80000046;
	[dreg:$0x1] =	wrdreg $0xFFFFFFFF  }
0xa7: {  	s28 =	simm.s32 $_size_execute0_lowered;
	s2 =	sadd.s32 s2, s4;
	[dreg:$0x0] =	wrdreg $0x0  }
0xa8: {  	s4 =	sshll.u32 s28, $0x1;
	[dreg:$0x2] =	wrdreg s2  }
0xa9: {  	[dreg:$0x3] =	wrdreg s4  }
0xaa: {  	[dreg:$0x4] =	wrdreg $0xC0  }
0xab: {  	_ =	task [dreg:s6], $0x5FFFF  }
0xac: {  	[dreg:$0x1] =	wrdreg $0xFFFFFFFF  }
0xad: {  	[dreg:$0x0] =	wrdreg $0x60  }
0xae: {  	[dreg:$0x2] =	wrdreg s24  }
0xaf: {  	[dreg:$0x3] =	wrdreg $0x9  }
0xb0: {  	_ =	task.clear_ibuf [dreg:s6], $0x4FFFF;
	_ =	strace $0x90000046  }
0xb1: {  	s29 =	simm.s32 $0x9;
	_ =	strace $0x80000048  }
0xb2: {  	_ =	swait.ge [sflag:s29], $0x1  }
0xb3: {  	[sflag:s29] =	ssyncadd.s32 $0xFFFFFFFF  }
0xb4: {  	_ =	strace $0x90000048  }
0xb5: {  	_ =	sfence  }
0xb6: {  	s30 =	sld [smem:$0x0];
	_ =	sdelay $0x2  }
0xb7: {  	s31 =	sshll.u32 s1, $0xD;
	s1 =	sshrl.u32 s1, $0x2  }
0xb8: {  	s3 =	sand.u32 $0x4000, s31;
	s1 =	sadd.s32 s1, s30  }
0xb9: {  	s0 =	sor.u32 s3, s0;
	s1 =	sshll.u32 s1, $0x11  }
0xba: {  	s0 =	sor.u32 s1, s0  }
0xbb: {  	s0 =	sadd.s32 $0x8F2B, s0  }
0xbc: {  	[sflag:s0] =	ssyncadd.remote.s32 $0x1  }
0xbd: {  	_ =	sfence.sel $0xFFFF  }
0xbe: {  	[dreg:$0x0] =	wrdreg $0xFFFFFFFF;
	(pc) =	sbr.abs _section_cstart, $3  }
0xbf: {  	[dreg:$0x1] =	wrdreg $0xFFFFFFFF  }
0xc0: {  	_ =	task.clear_ibuf [dreg:s6], $0x2FFFF;
	_ =	strace $0x9FFFFFFF  }
0xc1: {  	(tm) =	ssettm $0x7FFFFFFF  }
tec
execute0_lowered:
.L_overlay_start_1:
0x0: {  	(tag) =	ssettag $0x1  }
0x1: {  	s4 =	rddreg [dreg:$0x0]  }
0x2: {  	s0 =	rddreg [dreg:$0x1];
	s2 =	simm.s32 $0x0  }
0x3: {  	s1 =	stileid.u32;
	s3 =	srdreg.scid;
	s12 =	simm.s32 $0x1  }
0x4: {  	s13 =	simm.s32 $0x400;
	s14 =	simm.s32 $0x10000;
	[smem:$0x7FF] =	sst s2  }
0x5: {  	s5 =	sshrl.u32 s1, $0x2;
	s6 =	sand.u32 $0x1, s3;
	s29 =	sshll.u32 s1, $0x1  }
0x6: {  	s3 =	sadd.s32 $0x20400, s4;
	_ =	strace $0x80000047;
	s7 =	sshll.u32 s5, $0x4  }
0x7: {  	s8 =	sor.u32 s6, s29;
	s6 =	ssub.s32 $0x2, s6;
	s30 =	smul.u32 $0x600000, s5  }
0x8: {  	s7 =	sadd.s32 s7, s4;
	s9 =	sand.u32 $0x7, s8;
	s11 =	sshrl.u32 s6, $0x1  }
0x9: {  	s4 =	sadd.s32 $0x320400, s4;
	s10 =	sshll.u32 s9, $0xE;
	s11 =	ssub.s32 s6, s11  }
0xa: {  	s31 =	sshll.u32 s9, $0x12;
	s9 =	simm.s32 $0x80;
	s7 =	sadd.s32 s10, s7  }
0xb: {  	s6 =	sor.u32 s31, s30;
	s10 =	simm.s32 $0x200;
	s5 =	sadd.s32 $0x400, s7  }
0xc: {  	v0 =	vimm.f32 $0.0e+00;
	v1 =	vimm.f32 $1.000000000e+00;
	v2 =	vimm.s32 $0xFFFF1E00;
	s7 =	smul.u32 $0x78000, s8;
	s8 =	smax.u32 s11, $0x1;
	s11 =	simm.s32 $0x8000  }
.LBB2_1:
0xd: {  	[tilespmem:s11], [sflag:$0x1] =	stream.strided.gather [hbm4b:s5+s9], $0x8000, s10, s9, $0x38;
	[tilespmem:$0x15000] =	vst v63  }
0xe: {  	_ =	swait.ge [sflag:s12], $0x8000  }
0xf: {  	[sflag:s12] =	ssyncset.done $0x0  }
0x10: {  	s15 =	simm.s32 $0x0;
	[sflag:s12] =	ssyncadd.s32 $0xFFFF8000  }
.LBB2_2:
0x11: {  	s16 =	sshrl.u32 s15, $0x3  }
0x12: {  	s17 =	sshll.u32 s15, $0x7;
	s18 =	sshll.u32 s16, $0x15  }
0x13: {  	s17 =	sand.u32 $0x380, s17;
	s18 =	sadd.s32 s6, s18  }
0x14: {  	s18 =	sor.u32 s17, s18  }
0x15: {  	s18 =	sshrl.u32 s18, $0x3  }
0x16: {  	s19 =	simm.s32 $0x0;
	s18 =	sadd.s32 s3, s18  }
0x17: {  	[tilespmem:s19], [sflag:$0x1] =	stream.strided.gather [hbm4b:s18+s9], $0x8000, s13, s9, $0x38;
	[tilespmem:$0x15000] =	vst v63  }
0x18: {  	_ =	swait.ge [sflag:s12], $0x8000  }
0x19: {  	[sflag:s12] =	ssyncset.done $0x0  }
0x1a: {  	s18 =	simm.s32 $0x0;
	s19 =	simm.s32 $0x200;
	[sflag:s12] =	ssyncadd.s32 $0xFFFF8000  }
.LBB2_3:
0x1b: {  	p0 =	seq.s32 s19, $0x13E00;
	[tilespmem:s18+$0x10070] =	vst v0  }
0x1c: {  	[tilespmem:s18+$0x10000] =	vst v0  }
0x1d: {  	[tilespmem:s18+$0x10010] =	vst v0  }
.Ltmp0:
0x1e: {  	[tilespmem:s18+$0x10020] =	vst v0;
	(pc) =	sbr.rel @!p0 .LBB2_3-.Ltmp0, $4  }
0x1f: {  	[tilespmem:s18+$0x10030] =	vst v0  }
0x20: {  	[tilespmem:s18+$0x10040] =	vst v0  }
0x21: {  	[tilespmem:s18+$0x10050] =	vst v0  }
0x22: {  	[tilespmem:s18+$0x10060] =	vst v0;
	s18 =	sshra.s32 s19, $0x2;
	s19 =	sadd.s32 $0x200, s19  }
0x23: {  	[tilespmem:s18+$0x10070] =	vst v0  }
0x24: {  	[tilespmem:s18+$0x10000] =	vst v0  }
0x25: {  	[tilespmem:s18+$0x10010] =	vst v0  }
0x26: {  	[tilespmem:s18+$0x10020] =	vst v0  }
0x27: {  	[tilespmem:s18+$0x10030] =	vst v0  }
0x28: {  	[tilespmem:s18+$0x10040] =	vst v0  }
0x29: {  	[tilespmem:s18+$0x10050] =	vst v0  }
0x2a: {  	[tilespmem:s18+$0x10060] =	vst v0;
	v3 =	vmov s15;
	s18 =	simm.s32 $0x0  }
.LBB2_5:
0x2b: {  	s19 =	sshra.s32 s18, $0x2  }
0x2c: {  	v4 =	vld [tilespmem:s19+$0x8000];
	_ =	sdelay $0x1  }
0x2d: {  	v5 =	vld [tilespmem:s19+$0x0];
	_ =	sdelay $0x2  }
0x2e: {  	vm0 =	veq.s32 v4, v3  }
0x2f: {  	v4 =	vsel vm0, $0x3F800000, v0  }
0x30: {  	v4 =	vsub.f32 v5, v4;
	_ =	sdelay $0x1  }
0x31: {  	v4 =	vand.u32 $0x7FFFFFFF, v4  }
0x32: {  	v4 =	vshrl.u32 v4, $0xE  }
0x33: {  	v4 =	vmax.u32 v4, $0xE200  }
0x34: {  	v5 =	vsel vm0, $0xFFFF4600, v2;
	v4 =	vmin.u32 v4, $0x109FF  }
0x35: {  	v4 =	vadd.s32 v4, v5;
	_ =	sdelay $0x4  }
0x36: {  	[tilespmem:v4+s14+$0x0] =	vst.idx.add.f32.msk $0xffff, v1  }
0x37: {  	v4 =	vld [tilespmem:s19+$0x8010];
	_ =	sdelay $0x1  }
0x38: {  	v5 =	vld [tilespmem:s19+$0x10];
	_ =	sdelay $0x2  }
0x39: {  	vm13 =	veq.s32 v4, v3  }
0x3a: {  	v4 =	vsel vm13, $0x3F800000, v0  }
0x3b: {  	v4 =	vsub.f32 v5, v4;
	_ =	sdelay $0x1  }
0x3c: {  	v4 =	vand.u32 $0x7FFFFFFF, v4  }
0x3d: {  	v4 =	vshrl.u32 v4, $0xE  }
0x3e: {  	v4 =	vmax.u32 v4, $0xE200  }
0x3f: {  	v5 =	vsel vm13, $0xFFFF4600, v2;
	v4 =	vmin.u32 v4, $0x109FF  }
0x40: {  	v4 =	vadd.s32 v4, v5;
	_ =	sdelay $0x4  }
0x41: {  	[tilespmem:v4+s14+$0x0] =	vst.idx.add.f32.msk $0xffff, v1  }
0x42: {  	v4 =	vld [tilespmem:s19+$0x8020];
	_ =	sdelay $0x1  }
0x43: {  	v5 =	vld [tilespmem:s19+$0x20];
	_ =	sdelay $0x2  }
0x44: {  	vm14 =	veq.s32 v4, v3  }
0x45: {  	v4 =	vsel vm14, $0x3F800000, v0  }
0x46: {  	v4 =	vsub.f32 v5, v4;
	_ =	sdelay $0x1  }
0x47: {  	v4 =	vand.u32 $0x7FFFFFFF, v4  }
0x48: {  	v4 =	vshrl.u32 v4, $0xE  }
0x49: {  	v4 =	vmax.u32 v4, $0xE200  }
0x4a: {  	v5 =	vsel vm14, $0xFFFF4600, v2;
	v4 =	vmin.u32 v4, $0x109FF  }
0x4b: {  	v4 =	vadd.s32 v4, v5;
	_ =	sdelay $0x4  }
0x4c: {  	[tilespmem:v4+s14+$0x0] =	vst.idx.add.f32.msk $0xffff, v1  }
0x4d: {  	v4 =	vld [tilespmem:s19+$0x8030];
	_ =	sdelay $0x1  }
0x4e: {  	v5 =	vld [tilespmem:s19+$0x30];
	_ =	sdelay $0x2  }
0x4f: {  	vm15 =	veq.s32 v4, v3  }
0x50: {  	v4 =	vsel vm15, $0x3F800000, v0  }
0x51: {  	v4 =	vsub.f32 v5, v4;
	_ =	sdelay $0x1  }
0x52: {  	v4 =	vand.u32 $0x7FFFFFFF, v4  }
0x53: {  	v4 =	vshrl.u32 v4, $0xE  }
0x54: {  	v4 =	vmax.u32 v4, $0xE200  }
0x55: {  	v5 =	vsel vm15, $0xFFFF4600, v2;
	v4 =	vmin.u32 v4, $0x109FF  }
0x56: {  	p0 =	sne.s32 s18, $0x1FF00;
	v4 =	vadd.s32 v4, v5  }
.Ltmp1:
0x57: {  	_ = 	snop;
	(pc) =	sbr.rel @p0 .LBB2_5-.Ltmp1, $2  }
0x58: {  	_ =	sdelay $0x2  }
0x59: {  	s18 =	sadd.s32 $0x100, s18;
	[tilespmem:v4+s14+$0x0] =	vst.idx.add.f32.msk $0xffff, v1  }
0x5a: {  	s16 =	smul.u32 $0x28000, s16;
	_ =	sdelay $0x1  }
0x5b: {  	s16 =	sadd.s32 s7, s16  }
0x5c: {  	s15 =	sadd.s32 $0x1, s15;
	s16 =	sor.u32 s17, s16  }
0x5d: {  	p0 =	sne.s32 s15, $0x13;
	s16 =	sshrl.u32 s16, $0x3  }
.Ltmp2:
0x5e: {  	s16 =	sadd.s32 s4, s16;
	(pc) =	sbr.rel @p0 .LBB2_2-.Ltmp2, $4  }
0x5f: {  	[hbm4b:s16+s9] =	stream.strided.scatter [tilespmem:s14], [sflag:$0x1], $0x5000, s13, s9, $0x38;
	[tilespmem:$0x15000] =	vst v63  }
0x60: {  	_ =	swait.ge [sflag:s12], $0x5000  }
0x61: {  	[sflag:s12] =	ssyncset.done $0x0  }
0x62: {  	[sflag:s12] =	ssyncadd.s32 $0xFFFFB000  }
0x63: {  	s2 =	sadd.s32 $0x1, s2  }
0x64: {  	p0 =	sne.s32 s2, s8  }
.Ltmp3:
0x65: {  	_ = 	snop;
	(pc) =	sbr.rel @p0 .LBB2_1-.Ltmp3, $1  }
0x66: {  	_ =	sdelay $0x3  }
0x67: {  	_ =	sfence.sel $0x180000  }
0x68: {  	[bflag:$0x0] =	sbarrier.arrive $0xFFFF  }
0x69: {  	p0 =	sne.s32 s1, $0x0;
	_ =	strace $0x90000047  }
0x6a: {  	s0 =	sadd.s32 @!p0 $0x100000, s0;
	[bflag:$0x2] =	sbarrier.arrive $0xFFFF  }
0x6b: {  	[sflag:s0] =	ssyncadd.tile.s32 @!p0 $0x1;
	_ =	shalt  }
.Lfunc_end2:
_tile_overlayer_lowered:
.L_overlay_start_2:
0x6c: {  	(tag) =	ssettag $0x2  }
0x6d: {  	s0 =	rddreg [dreg:$0x0];
	s2 =	stileid.u32  }
0x6e: {  	s1 =	rddreg [dreg:$0x1];
	p0 =	sne.s32 s2, $0x0  }
0x6f: {  	s3 =	rddreg [dreg:$0x2];
	[bflag:$0x3] =	sbarrier.arrive $0xFFFF;
	s2 =	simm.s32 @!p0 $0x1C01  }
0x70: {  	[timem:s3], [sflag:s2] =	dma.local @!p0 [hbm:s0], s1  }
0x71: {  	s0 =	simm.s32 @!p0 $0x1  }
0x72: {  	_ =	swait.ge @!p0 [sflag:s0], s1  }
0x73: {  	s1 =	ssub.s32 @!p0 $0x0, s1;
	[sflag:s0] =	ssyncset.done @!p0 $0x0  }
0x74: {  	[sflag:s0] =	ssyncadd.s32 @!p0 s1  }
0x75: {  	[bflag:$0x3] =	sbarrier.arrive $0xFFFF  }
0x76: {  	_ =	shalt  }

</sc_bundles>
